<compile_context>
chip_gen: v7x
topology: tpu7x:2x2x1
jax: 0.10.2.dev20260603
libtpu: 0.0.44.dev20260713+nightly
codegen_flags: <defaults>
</compile_context>

<pallas_src>
import functools
import numpy as np
import jax
import jax.numpy as jnp
from jax.experimental import pallas as pl
from jax.experimental.pallas import tpu as pltpu

_N = 2
_A = 15
_H = 50
_W = 50
_PRE = 2000
_PREP = 2048
_POST = 1000
_POSTP = 1024
_THRESH = 0.7
_CLIP = float(np.log(1000.0 / 16.0))
_STRIDE = 16.0

_ANCHORS_NP = np.array([
    [-22.63, -11.31, 22.63, 11.31], [-16.0, -16.0, 16.0, 16.0], [-11.31, -22.63, 11.31, 22.63],
    [-45.25, -22.63, 45.25, 22.63], [-32.0, -32.0, 32.0, 32.0], [-22.63, -45.25, 22.63, 45.25],
    [-90.51, -45.25, 90.51, 45.25], [-64.0, -64.0, 64.0, 64.0], [-45.25, -90.51, 45.25, 90.51],
    [-181.02, -90.51, 181.02, 90.51], [-128.0, -128.0, 128.0, 128.0], [-90.51, -181.02, 90.51, 181.02],
    [-362.04, -181.02, 362.04, 181.02], [-256.0, -256.0, 256.0, 256.0], [-181.02, -362.04, 181.02, 362.04]],
    dtype=np.float32)


def _all_anchors_np():
    shift_x = np.arange(_W, dtype=np.float32) * _STRIDE
    shift_y = np.arange(_H, dtype=np.float32) * _STRIDE
    sx, sy = np.meshgrid(shift_x, shift_y)
    shifts = np.stack([sx.ravel(), sy.ravel(), sx.ravel(), sy.ravel()], axis=1)
    return (_ANCHORS_NP[None, :, :] + shifts[:, None, :]).reshape(-1, 4)


def _transform_clip_valid(anc, dl, vals, hh, ww, lane_idx):
    ax1, ay1, ax2, ay2 = anc
    dx, dy, dw, dh = dl
    widths = ax2 - ax1 + 1.0
    heights = ay2 - ay1 + 1.0
    ctr_x = ax1 + 0.5 * widths
    ctr_y = ay1 + 0.5 * heights
    dw = jnp.minimum(dw, _CLIP)
    dh = jnp.minimum(dh, _CLIP)
    pred_ctr_x = dx * widths + ctr_x
    pred_ctr_y = dy * heights + ctr_y
    pred_w = jnp.exp(dw) * widths
    pred_h = jnp.exp(dh) * heights
    x1 = pred_ctr_x - 0.5 * pred_w
    y1 = pred_ctr_y - 0.5 * pred_h
    x2 = pred_ctr_x + 0.5 * pred_w - 1.0
    y2 = pred_ctr_y + 0.5 * pred_h - 1.0
    x1 = jnp.clip(x1, 0.0, ww - 1.0)
    y1 = jnp.clip(y1, 0.0, hh - 1.0)
    x2 = jnp.clip(x2, 0.0, ww - 1.0)
    y2 = jnp.clip(y2, 0.0, hh - 1.0)
    ws = x2 - x1 + 1.0
    hs = y2 - y1 + 1.0
    x_ctr = x1 + ws / 2.0
    y_ctr = y1 + hs / 2.0
    valid = ((ws >= 0.0) & (hs >= 0.0) & (x_ctr < ww) & (y_ctr < hh)
             & (lane_idx < _PRE))
    area = ws * hs
    return x1, y1, x2, y2, area, valid.astype(jnp.float32)


def _nms_body(im_ref, ancr_ref, dlr_ref, valsr_ref, ancc_ref, dlc_ref,
              valsc_ref, out_ref, mask_ref, cols_ref, supp_ref):
    img = pl.program_id(0)
    hh = im_ref[0, 0, 0]
    ww = im_ref[0, 0, 1]

    lane = jax.lax.broadcasted_iota(jnp.int32, (1, _PREP), 1)
    anc_r = tuple(ancr_ref[0, k:k + 1, :] for k in range(4))
    dl_r = tuple(dlr_ref[0, k:k + 1, :] for k in range(4))
    x1r, y1r, x2r, y2r, area_r, valid_r = _transform_clip_valid(
        anc_r, dl_r, valsr_ref[0, 0:1, :], hh, ww, lane)

    sub = jax.lax.broadcasted_iota(jnp.int32, (_PREP, 1), 0)
    anc_c = tuple(ancc_ref[0, :, k:k + 1] for k in range(4))
    dl_c = tuple(dlc_ref[0, :, k:k + 1] for k in range(4))
    x1c, y1c, x2c, y2c, area_c, valid_c = _transform_clip_valid(
        anc_c, dl_c, valsc_ref[0, :, 0:1], hh, ww, sub)

    cols_ref[:, 0:1] = x1c
    cols_ref[:, 1:2] = y1c
    cols_ref[:, 2:3] = x2c
    cols_ref[:, 3:4] = y2c
    cols_ref[:, 4:5] = valsc_ref[0, :, 0:1]
    cols_ref[:, 5:6] = jnp.ones((_PREP, 1), jnp.float32)
    cols_ref[:, 6:8] = jnp.zeros((_PREP, 2), jnp.float32)

    for k in range(_PREP // 128):
        rs = slice(k * 128, (k + 1) * 128)
        bx1, by1 = x1c[rs, :], y1c[rs, :]
        bx2, by2 = x2c[rs, :], y2c[rs, :]
        barea = area_c[rs, :]
        xx1 = jnp.maximum(bx1, x1r)
        yy1 = jnp.maximum(by1, y1r)
        xx2 = jnp.minimum(bx2, x2r)
        yy2 = jnp.minimum(by2, y2r)
        w = jnp.maximum(0.0, xx2 - xx1 + 1.0)
        h = jnp.maximum(0.0, yy2 - yy1 + 1.0)
        inter = w * h
        ovr = inter / (barea + area_r - inter)
        ridx = jax.lax.broadcasted_iota(jnp.int32, (128, _PREP), 0) + k * 128
        m = (ovr > _THRESH) & (ridx != lane)
        mask_ref[rs, :] = m.astype(jnp.float32)

    supp_ref[0:1, :] = 1.0 - valid_r

    def cond(carry):
        i, cnt = carry
        return (i < _PRE) & (cnt < _POST)

    def body(carry):
        i, cnt = carry
        s = jnp.sum(jnp.where(lane == i, supp_ref[0:1, :], 0.0))

        @pl.when(s == 0.0)
        def _():
            supp_ref[0:1, :] = jnp.maximum(supp_ref[0:1, :],
                                           mask_ref[pl.ds(i, 1), :])
        return i + 1, cnt + jnp.where(s == 0.0, 1, 0)

    jax.lax.while_loop(cond, body, (0, 0))

    keep_r = jnp.where(supp_ref[0:1, :] == 0.0, 1.0, 0.0)

    tri = (jax.lax.broadcasted_iota(jnp.int32, (_PREP, _PREP), 0)
           < jax.lax.broadcasted_iota(jnp.int32, (_PREP, _PREP), 1))
    pos_r = jax.lax.dot_general(
        keep_r, tri.astype(jnp.float32), (((1,), (0,)), ((), ())),
        preferred_element_type=jnp.float32)

    prow = jax.lax.broadcasted_iota(jnp.int32, (_POSTP, 1), 0).astype(jnp.float32)
    P = jnp.where((pos_r == prow) & (keep_r > 0.0), 1.0, 0.0)
    packed = jax.lax.dot_general(
        P, cols_ref[:, :], (((1,), (0,)), ((), ())),
        preferred_element_type=jnp.float32)

    out_ref[0, :, 0:1] = img.astype(jnp.float32) * packed[:, 5:6]
    out_ref[0, :, 1:5] = packed[:, 0:4]
    out_ref[0, :, 5:6] = packed[:, 4:5]
    out_ref[0, :, 6:8] = jnp.zeros((_POSTP, 2), jnp.float32)


@jax.jit
def kernel(rpn_cls_prob, rpn_bbox_pred, im_info):
    scores = jnp.transpose(rpn_cls_prob, (0, 2, 3, 1)).reshape(_N, -1)
    deltas = jnp.transpose(
        rpn_bbox_pred.reshape(_N, _A, 4, _H, _W), (0, 3, 4, 1, 2)
    ).reshape(_N, _H * _W * _A, 4)
    all_anchors = jnp.asarray(_all_anchors_np())

    vals, order = jax.lax.top_k(scores, _PRE)
    anc = all_anchors[order]
    dl = jnp.take_along_axis(deltas, order[:, :, None], axis=1)

    pad = ((0, 0), (0, _PREP - _PRE), (0, 0))
    anc_p = jnp.pad(anc, pad)
    dl_p = jnp.pad(dl, pad)
    vals_p = jnp.pad(vals, ((0, 0), (0, _PREP - _PRE)))

    anc_rt = jnp.transpose(anc_p, (0, 2, 1))
    dl_rt = jnp.transpose(dl_p, (0, 2, 1))
    vals_r = vals_p[:, None, :]
    vals_c = vals_p[:, :, None]

    out = pl.pallas_call(
        _nms_body,
        grid=(_N,),
        in_specs=[
            pl.BlockSpec((1, 1, 3), lambda i: (i, 0, 0),
                         memory_space=pltpu.SMEM),
            pl.BlockSpec((1, 4, _PREP), lambda i: (i, 0, 0)),
            pl.BlockSpec((1, 4, _PREP), lambda i: (i, 0, 0)),
            pl.BlockSpec((1, 1, _PREP), lambda i: (i, 0, 0)),
            pl.BlockSpec((1, _PREP, 4), lambda i: (i, 0, 0)),
            pl.BlockSpec((1, _PREP, 4), lambda i: (i, 0, 0)),
            pl.BlockSpec((1, _PREP, 1), lambda i: (i, 0, 0)),
        ],
        out_specs=pl.BlockSpec((1, _POSTP, 8), lambda i: (i, 0, 0)),
        out_shape=jax.ShapeDtypeStruct((_N, _POSTP, 8), jnp.float32),
        scratch_shapes=[
            pltpu.VMEM((_PREP, _PREP), jnp.float32),
            pltpu.VMEM((_PREP, 8), jnp.float32),
            pltpu.VMEM((1, _PREP), jnp.float32),
        ],
        compiler_params=pltpu.CompilerParams(
            dimension_semantics=("parallel",)),
    )(im_info[:, None, :], anc_rt, dl_rt, vals_r, anc_p, dl_p, vals_c)

    rois = out[:, :_POST, 0:5].reshape(_N * _POST, 5)
    probs = out[:, :_POST, 5:6].reshape(_N * _POST, 1)
    return rois, probs

# --- scband reference (transcript-rebuilt; emitter-appended) ---
"""Pipeline reference for scband-generate-proposals-op-32976758899348 (READ-ONLY COPY).

The authoritative reference and input builder live on the scoring server;
editing this copy changes nothing except your own understanding.
"""

import jax, jax.numpy as jnp
import numpy as np

N_IMAGES = 2
A = 15
H = 50
W = 50
SPATIAL_SCALE = 0.0625
FEAT_STRIDE = 1.0 / SPATIAL_SCALE
PRE_NMS_TOP_N = 2000
POST_NMS_TOP_N = 1000
NMS_THRESH = 0.7
MIN_SIZE = 0.0
BBOX_XFORM_CLIP = float(np.log(1000.0 / 16.0))
ANCHORS = jnp.array([
    [-22.63, -11.31, 22.63, 11.31], [-16.0, -16.0, 16.0, 16.0], [-11.31, -22.63, 11.31, 22.63],
    [-45.25, -22.63, 45.25, 22.63], [-32.0, -32.0, 32.0, 32.0], [-22.63, -45.25, 22.63, 45.25],
    [-90.51, -45.25, 90.51, 45.25], [-64.0, -64.0, 64.0, 64.0], [-45.25, -90.51, 45.25, 90.51],
    [-181.02, -90.51, 181.02, 90.51], [-128.0, -128.0, 128.0, 128.0], [-90.51, -181.02, 90.51, 181.02],
    [-362.04, -181.02, 362.04, 181.02], [-256.0, -256.0, 256.0, 256.0], [-181.02, -362.04, 181.02, 362.04]],
    dtype=jnp.float32)


def setup_inputs(seed: int = 0):
    key = jax.random.key(seed)
    k1, k2 = jax.random.split(key)
    rpn_cls_prob = jax.random.uniform(k1, (N_IMAGES, A, H, W), dtype=jnp.float32)
    rpn_bbox_pred = jax.random.normal(k2, (N_IMAGES, 4 * A, H, W), dtype=jnp.float32) * 0.1
    im_info = jnp.array([[800.0, 800.0, 1.0]] * N_IMAGES, dtype=jnp.float32)
    return {"rpn_cls_prob": rpn_cls_prob, "rpn_bbox_pred": rpn_bbox_pred, "im_info": im_info}


def _make_all_anchors(h, w):
    shift_x = jnp.arange(0, w, dtype=jnp.float32) * FEAT_STRIDE
    shift_y = jnp.arange(0, h, dtype=jnp.float32) * FEAT_STRIDE
    sx, sy = jnp.meshgrid(shift_x, shift_y)
    shifts = jnp.stack([sx.ravel(), sy.ravel(), sx.ravel(), sy.ravel()], axis=1)
    return (ANCHORS[None, :, :] + shifts[:, None, :]).reshape(-1, 4)


def _bbox_transform(boxes, deltas):
    widths = boxes[:, 2] - boxes[:, 0] + 1.0
    heights = boxes[:, 3] - boxes[:, 1] + 1.0
    ctr_x = boxes[:, 0] + 0.5 * widths
    ctr_y = boxes[:, 1] + 0.5 * heights
    dx, dy = deltas[:, 0], deltas[:, 1]
    dw = jnp.minimum(deltas[:, 2], BBOX_XFORM_CLIP)
    dh = jnp.minimum(deltas[:, 3], BBOX_XFORM_CLIP)
    pred_ctr_x = dx * widths + ctr_x
    pred_ctr_y = dy * heights + ctr_y
    pred_w = jnp.exp(dw) * widths
    pred_h = jnp.exp(dh) * heights
    x1 = pred_ctr_x - 0.5 * pred_w
    y1 = pred_ctr_y - 0.5 * pred_h
    x2 = pred_ctr_x + 0.5 * pred_w - 1.0
    y2 = pred_ctr_y + 0.5 * pred_h - 1.0
    return jnp.stack([x1, y1, x2, y2], axis=1)


def _clip_boxes(boxes, h, w):
    x1 = jnp.clip(boxes[:, 0], 0.0, w - 1.0)
    y1 = jnp.clip(boxes[:, 1], 0.0, h - 1.0)
    x2 = jnp.clip(boxes[:, 2], 0.0, w - 1.0)
    y2 = jnp.clip(boxes[:, 3], 0.0, h - 1.0)
    return jnp.stack([x1, y1, x2, y2], axis=1)


def _valid_mask(boxes, im_info_i):
    min_size = MIN_SIZE * im_info_i[2]
    ws = boxes[:, 2] - boxes[:, 0] + 1.0
    hs = boxes[:, 3] - boxes[:, 1] + 1.0
    x_ctr = boxes[:, 0] + ws / 2.0
    y_ctr = boxes[:, 1] + hs / 2.0
    return (ws >= min_size) & (hs >= min_size) & (x_ctr < im_info_i[1]) & (y_ctr < im_info_i[0])


def _nms_keep(boxes, valid, thresh):
    n = boxes.shape[0]
    x1, y1, x2, y2 = boxes[:, 0], boxes[:, 1], boxes[:, 2], boxes[:, 3]
    areas = (x2 - x1 + 1.0) * (y2 - y1 + 1.0)
    ar = jnp.arange(n)

    def body(i, carry):
        suppressed, keep = carry
        alive = jnp.logical_not(suppressed[i])
        keep = keep.at[i].set(alive)
        xx1 = jnp.maximum(x1[i], x1)
        yy1 = jnp.maximum(y1[i], y1)
        xx2 = jnp.minimum(x2[i], x2)
        yy2 = jnp.minimum(y2[i], y2)
        w = jnp.maximum(0.0, xx2 - xx1 + 1.0)
        h = jnp.maximum(0.0, yy2 - yy1 + 1.0)
        inter = w * h
        ovr = inter / (areas[i] + areas - inter)
        sup = (ovr > thresh) & (ar > i) & alive
        return (suppressed | sup, keep)

    suppressed0 = jnp.logical_not(valid)
    keep0 = jnp.zeros((n,), dtype=bool)
    _, keep = jax.lax.fori_loop(0, n, body, (suppressed0, keep0))
    return keep


def reference(rpn_cls_prob, rpn_bbox_pred, im_info):
    all_anchors = _make_all_anchors(H, W)
    rois = []
    roi_probs = []
    for i in range(N_IMAGES):
        scores = jnp.transpose(rpn_cls_prob[i], (1, 2, 0)).reshape(-1)
        deltas = jnp.transpose(rpn_bbox_pred[i], (1, 2, 0)).reshape(-1, 4)
        vals, order = jax.lax.top_k(scores, PRE_NMS_TOP_N)
        props = _bbox_transform(all_anchors[order], deltas[order])
        props = _clip_boxes(props, im_info[i, 0], im_info[i, 1])
        valid = _valid_mask(props, im_info[i])
        keep = _nms_keep(props, valid, NMS_THRESH)
        idx = jnp.nonzero(keep, size=POST_NMS_TOP_N, fill_value=0)[0]
        sel = jnp.arange(POST_NMS_TOP_N) < jnp.sum(keep)
        boxes = jnp.where(sel[:, None], props[idx], 0.0)
        probs = jnp.where(sel, vals[idx], 0.0)
        batch = jnp.where(sel, float(i), 0.0)
        rois.append(jnp.concatenate([batch[:, None], boxes], axis=1))
        roi_probs.append(probs[:, None])
    return jnp.concatenate(rois, axis=0), jnp.concatenate(roi_probs, axis=0)

if __name__ == "__main__":
    import jax
    _d = setup_inputs()
    print(jax.jit(kernel)(*tuple(_d.values())))

</pallas_src>

<mosaic_0001>
module attributes {stable_mosaic.version = 14 : i64} {
  func.func @_nms_body(%arg0: i32, %arg1: memref<1x1x3xf32, #tpu.memory_space<smem>>, %arg2: memref<1x4x2048xf32, #tpu.memory_space<vmem>>, %arg3: memref<1x4x2048xf32, #tpu.memory_space<vmem>>, %arg4: memref<1x1x2048xf32, #tpu.memory_space<vmem>>, %arg5: memref<1x2048x4xf32, #tpu.memory_space<vmem>>, %arg6: memref<1x2048x4xf32, #tpu.memory_space<vmem>>, %arg7: memref<1x2048x1xf32, #tpu.memory_space<vmem>>, %arg8: memref<1x1024x8xf32, #tpu.memory_space<vmem>>, %arg9: memref<2048x2048xf32, #tpu.memory_space<vmem>>, %arg10: memref<2048x8xf32, #tpu.memory_space<vmem>>, %arg11: memref<1x2048xf32, #tpu.memory_space<vmem>>) attributes {dimension_semantics = [#tpu.dimension_semantics<parallel>], iteration_bounds = array<i64: 2>, scalar_prefetch = 0 : i64, scratch_operands = 3 : i64, tpu.core_type = #tpu.core_type<tc>, window_params = [{transform_indices = @transform_0, window_bounds = array<i64: 1, 1, 3>}, {transform_indices = @transform_1, window_bounds = array<i64: 1, 4, 2048>}, {transform_indices = @transform_2, window_bounds = array<i64: 1, 4, 2048>}, {transform_indices = @transform_3, window_bounds = array<i64: 1, 1, 2048>}, {transform_indices = @transform_4, window_bounds = array<i64: 1, 2048, 4>}, {transform_indices = @transform_5, window_bounds = array<i64: 1, 2048, 4>}, {transform_indices = @transform_6, window_bounds = array<i64: 1, 2048, 1>}, {transform_indices = @transform_7, window_bounds = array<i64: 1, 1024, 8>}]} {
    %get3A = arith.constant 0 : index
    %get3A_0 = arith.constant 0 : index
    %get3A_1 = arith.constant 0 : index
    %get3A_2 = memref.load %arg1[%get3A, %get3A_0, %get3A_1] : memref<1x1x3xf32, #tpu.memory_space<smem>>
    %get3A_3 = arith.constant 0 : index
    %get3A_4 = arith.constant 0 : index
    %get3A_5 = arith.constant 1 : index
    %get3A_6 = memref.load %arg1[%get3A_3, %get3A_4, %get3A_5] : memref<1x1x3xf32, #tpu.memory_space<smem>>
    %iota3A = tpu.iota {dimensions = array<i32: 1>} : vector<1x2048xi32>
    %get3A_7 = arith.constant 0 : index
    %get3A_8 = arith.constant 0 : index
    %get3A_9 = arith.constant 0 : index
    %get3A_10 = vector.load %arg2[%get3A_7, %get3A_8, %get3A_9] : memref<1x4x2048xf32, #tpu.memory_space<vmem>>, vector<1x1x2048xf32>
    %get3A_11 = vector.shape_cast %get3A_10 : vector<1x1x2048xf32> to vector<1x2048xf32>
    %get3A_12 = arith.constant 0 : index
    %get3A_13 = arith.constant 1 : index
    %get3A_14 = arith.constant 0 : index
    %get3A_15 = vector.load %arg2[%get3A_12, %get3A_13, %get3A_14] : memref<1x4x2048xf32, #tpu.memory_space<vmem>>, vector<1x1x2048xf32>
    %get3A_16 = vector.shape_cast %get3A_15 : vector<1x1x2048xf32> to vector<1x2048xf32>
    %get3A_17 = arith.constant 0 : index
    %get3A_18 = arith.constant 2 : index
    %get3A_19 = arith.constant 0 : index
    %get3A_20 = vector.load %arg2[%get3A_17, %get3A_18, %get3A_19] : memref<1x4x2048xf32, #tpu.memory_space<vmem>>, vector<1x1x2048xf32>
    %get3A_21 = vector.shape_cast %get3A_20 : vector<1x1x2048xf32> to vector<1x2048xf32>
    %get3A_22 = arith.constant 0 : index
    %get3A_23 = arith.constant 3 : index
    %get3A_24 = arith.constant 0 : index
    %get3A_25 = vector.load %arg2[%get3A_22, %get3A_23, %get3A_24] : memref<1x4x2048xf32, #tpu.memory_space<vmem>>, vector<1x1x2048xf32>
    %get3A_26 = vector.shape_cast %get3A_25 : vector<1x1x2048xf32> to vector<1x2048xf32>
    %get3A_27 = arith.constant 0 : index
    %get3A_28 = arith.constant 0 : index
    %get3A_29 = arith.constant 0 : index
    %get3A_30 = vector.load %arg3[%get3A_27, %get3A_28, %get3A_29] : memref<1x4x2048xf32, #tpu.memory_space<vmem>>, vector<1x1x2048xf32>
    %get3A_31 = vector.shape_cast %get3A_30 : vector<1x1x2048xf32> to vector<1x2048xf32>
    %get3A_32 = arith.constant 0 : index
    %get3A_33 = arith.constant 1 : index
    %get3A_34 = arith.constant 0 : index
    %get3A_35 = vector.load %arg3[%get3A_32, %get3A_33, %get3A_34] : memref<1x4x2048xf32, #tpu.memory_space<vmem>>, vector<1x1x2048xf32>
    %get3A_36 = vector.shape_cast %get3A_35 : vector<1x1x2048xf32> to vector<1x2048xf32>
    %get3A_37 = arith.constant 0 : index
    %get3A_38 = arith.constant 2 : index
    %get3A_39 = arith.constant 0 : index
    %get3A_40 = vector.load %arg3[%get3A_37, %get3A_38, %get3A_39] : memref<1x4x2048xf32, #tpu.memory_space<vmem>>, vector<1x1x2048xf32>
    %get3A_41 = vector.shape_cast %get3A_40 : vector<1x1x2048xf32> to vector<1x2048xf32>
    %get3A_42 = arith.constant 0 : index
    %get3A_43 = arith.constant 3 : index
    %get3A_44 = arith.constant 0 : index
    %get3A_45 = vector.load %arg3[%get3A_42, %get3A_43, %get3A_44] : memref<1x4x2048xf32, #tpu.memory_space<vmem>>, vector<1x1x2048xf32>
    %get3A_46 = vector.shape_cast %get3A_45 : vector<1x1x2048xf32> to vector<1x2048xf32>
    %sub3A = arith.subf %get3A_21, %get3A_11 : vector<1x2048xf32>
    %add3A = arith.constant 1.000000e+00 : f32
    %add3A_47 = vector.broadcast %add3A : f32 to vector<1x2048xf32>
    %add3A_48 = arith.addf %sub3A, %add3A_47 : vector<1x2048xf32>
    %sub3A_49 = arith.subf %get3A_26, %get3A_16 : vector<1x2048xf32>
    %add3A_50 = arith.constant 1.000000e+00 : f32
    %add3A_51 = vector.broadcast %add3A_50 : f32 to vector<1x2048xf32>
    %add3A_52 = arith.addf %sub3A_49, %add3A_51 : vector<1x2048xf32>
    %mul3A = arith.constant 5.000000e-01 : f32
    %mul3A_53 = vector.broadcast %mul3A : f32 to vector<1x2048xf32>
    %mul3A_54 = arith.mulf %mul3A_53, %add3A_48 : vector<1x2048xf32>
    %add3A_55 = arith.addf %get3A_11, %mul3A_54 : vector<1x2048xf32>
    %mul3A_56 = arith.constant 5.000000e-01 : f32
    %mul3A_57 = vector.broadcast %mul3A_56 : f32 to vector<1x2048xf32>
    %mul3A_58 = arith.mulf %mul3A_57, %add3A_52 : vector<1x2048xf32>
    %add3A_59 = arith.addf %get3A_16, %mul3A_58 : vector<1x2048xf32>
    %min3A = arith.constant 4.13516665 : f32
    %min3A_60 = vector.broadcast %min3A : f32 to vector<1x2048xf32>
    %min3A_61 = arith.minimumf %get3A_41, %min3A_60 : vector<1x2048xf32>
    %min3A_62 = arith.constant 4.13516665 : f32
    %min3A_63 = vector.broadcast %min3A_62 : f32 to vector<1x2048xf32>
    %min3A_64 = arith.minimumf %get3A_46, %min3A_63 : vector<1x2048xf32>
    %mul3A_65 = arith.mulf %get3A_31, %add3A_48 : vector<1x2048xf32>
    %add3A_66 = arith.addf %mul3A_65, %add3A_55 : vector<1x2048xf32>
    %mul3A_67 = arith.mulf %get3A_36, %add3A_52 : vector<1x2048xf32>
    %add3A_68 = arith.addf %mul3A_67, %add3A_59 : vector<1x2048xf32>
    %exp3A = math.exp %min3A_61 : vector<1x2048xf32>
    %mul3A_69 = arith.mulf %exp3A, %add3A_48 : vector<1x2048xf32>
    %exp3A_70 = math.exp %min3A_64 : vector<1x2048xf32>
    %mul3A_71 = arith.mulf %exp3A_70, %add3A_52 : vector<1x2048xf32>
    %mul3A_72 = arith.constant 5.000000e-01 : f32
    %mul3A_73 = vector.broadcast %mul3A_72 : f32 to vector<1x2048xf32>
    %mul3A_74 = arith.mulf %mul3A_73, %mul3A_69 : vector<1x2048xf32>
    %sub3A_75 = arith.subf %add3A_66, %mul3A_74 : vector<1x2048xf32>
    %mul3A_76 = arith.constant 5.000000e-01 : f32
    %mul3A_77 = vector.broadcast %mul3A_76 : f32 to vector<1x2048xf32>
    %mul3A_78 = arith.mulf %mul3A_77, %mul3A_71 : vector<1x2048xf32>
    %sub3A_79 = arith.subf %add3A_68, %mul3A_78 : vector<1x2048xf32>
    %mul3A_80 = arith.constant 5.000000e-01 : f32
    %mul3A_81 = vector.broadcast %mul3A_80 : f32 to vector<1x2048xf32>
    %mul3A_82 = arith.mulf %mul3A_81, %mul3A_69 : vector<1x2048xf32>
    %add3A_83 = arith.addf %add3A_66, %mul3A_82 : vector<1x2048xf32>
    %sub3A_84 = arith.constant 1.000000e+00 : f32
    %sub3A_85 = vector.broadcast %sub3A_84 : f32 to vector<1x2048xf32>
    %sub3A_86 = arith.subf %add3A_83, %sub3A_85 : vector<1x2048xf32>
    %mul3A_87 = arith.constant 5.000000e-01 : f32
    %mul3A_88 = vector.broadcast %mul3A_87 : f32 to vector<1x2048xf32>
    %mul3A_89 = arith.mulf %mul3A_88, %mul3A_71 : vector<1x2048xf32>
    %add3A_90 = arith.addf %add3A_68, %mul3A_89 : vector<1x2048xf32>
    %sub3A_91 = arith.constant 1.000000e+00 : f32
    %sub3A_92 = vector.broadcast %sub3A_91 : f32 to vector<1x2048xf32>
    %sub3A_93 = arith.subf %add3A_90, %sub3A_92 : vector<1x2048xf32>
    %sub3A_94 = arith.constant 1.000000e+00 : f32
    %sub3A_95 = arith.subf %get3A_6, %sub3A_94 : f32
    %jit3A = arith.constant 0.000000e+00 : f32
    %max3A = vector.broadcast %jit3A : f32 to vector<1x2048xf32>
    %max3A_96 = arith.maximumf %max3A, %sub3A_75 : vector<1x2048xf32>
    %min3A_97 = vector.broadcast %sub3A_95 : f32 to vector<1x2048xf32>
    %min3A_98 = arith.minimumf %min3A_97, %max3A_96 : vector<1x2048xf32>
    %sub3A_99 = arith.constant 1.000000e+00 : f32
    %sub3A_100 = arith.subf %get3A_2, %sub3A_99 : f32
    %jit3A_101 = arith.constant 0.000000e+00 : f32
    %max3A_102 = vector.broadcast %jit3A_101 : f32 to vector<1x2048xf32>
    %max3A_103 = arith.maximumf %max3A_102, %sub3A_79 : vector<1x2048xf32>
    %min3A_104 = vector.broadcast %sub3A_100 : f32 to vector<1x2048xf32>
    %min3A_105 = arith.minimumf %min3A_104, %max3A_103 : vector<1x2048xf32>
    %sub3A_106 = arith.constant 1.000000e+00 : f32
    %sub3A_107 = arith.subf %get3A_6, %sub3A_106 : f32
    %jit3A_108 = arith.constant 0.000000e+00 : f32
    %max3A_109 = vector.broadcast %jit3A_108 : f32 to vector<1x2048xf32>
    %max3A_110 = arith.maximumf %max3A_109, %sub3A_86 : vector<1x2048xf32>
    %min3A_111 = vector.broadcast %sub3A_107 : f32 to vector<1x2048xf32>
    %min3A_112 = arith.minimumf %min3A_111, %max3A_110 : vector<1x2048xf32>
    %sub3A_113 = arith.constant 1.000000e+00 : f32
    %sub3A_114 = arith.subf %get3A_2, %sub3A_113 : f32
    %jit3A_115 = arith.constant 0.000000e+00 : f32
    %max3A_116 = vector.broadcast %jit3A_115 : f32 to vector<1x2048xf32>
    %max3A_117 = arith.maximumf %max3A_116, %sub3A_93 : vector<1x2048xf32>
    %min3A_118 = vector.broadcast %sub3A_114 : f32 to vector<1x2048xf32>
    %min3A_119 = arith.minimumf %min3A_118, %max3A_117 : vector<1x2048xf32>
    %sub3A_120 = arith.subf %min3A_112, %min3A_98 : vector<1x2048xf32>
    %add3A_121 = arith.constant 1.000000e+00 : f32
    %add3A_122 = vector.broadcast %add3A_121 : f32 to vector<1x2048xf32>
    %add3A_123 = arith.addf %sub3A_120, %add3A_122 : vector<1x2048xf32>
    %sub3A_124 = arith.subf %min3A_119, %min3A_105 : vector<1x2048xf32>
    %add3A_125 = arith.constant 1.000000e+00 : f32
    %add3A_126 = vector.broadcast %add3A_125 : f32 to vector<1x2048xf32>
    %add3A_127 = arith.addf %sub3A_124, %add3A_126 : vector<1x2048xf32>
    %div3A = arith.constant 2.000000e+00 : f32
    %div3A_128 = vector.broadcast %div3A : f32 to vector<1x2048xf32>
    %div3A_129 = arith.divf %add3A_123, %div3A_128 : vector<1x2048xf32>
    %add3A_130 = arith.addf %min3A_98, %div3A_129 : vector<1x2048xf32>
    %div3A_131 = arith.constant 2.000000e+00 : f32
    %div3A_132 = vector.broadcast %div3A_131 : f32 to vector<1x2048xf32>
    %div3A_133 = arith.divf %add3A_127, %div3A_132 : vector<1x2048xf32>
    %add3A_134 = arith.addf %min3A_105, %div3A_133 : vector<1x2048xf32>
    %ge3A = arith.constant 0.000000e+00 : f32
    %ge3A_135 = vector.broadcast %ge3A : f32 to vector<1x2048xf32>
    %ge3A_136 = arith.cmpf oge, %add3A_123, %ge3A_135 : vector<1x2048xf32>
    %ge3A_137 = arith.constant 0.000000e+00 : f32
    %ge3A_138 = vector.broadcast %ge3A_137 : f32 to vector<1x2048xf32>
    %ge3A_139 = arith.cmpf oge, %add3A_127, %ge3A_138 : vector<1x2048xf32>
    %and3A = arith.andi %ge3A_136, %ge3A_139 : vector<1x2048xi1>
    %lt3A = vector.broadcast %get3A_6 : f32 to vector<1x2048xf32>
    %lt3A_140 = arith.cmpf olt, %add3A_130, %lt3A : vector<1x2048xf32>
    %and3A_141 = arith.andi %and3A, %lt3A_140 : vector<1x2048xi1>
    %lt3A_142 = vector.broadcast %get3A_2 : f32 to vector<1x2048xf32>
    %lt3A_143 = arith.cmpf olt, %add3A_134, %lt3A_142 : vector<1x2048xf32>
    %and3A_144 = arith.andi %and3A_141, %lt3A_143 : vector<1x2048xi1>
    %lt3A_145 = arith.constant 2000 : i32
    %lt3A_146 = vector.broadcast %lt3A_145 : i32 to vector<1x2048xi32>
    %lt3A_147 = arith.cmpi slt, %iota3A, %lt3A_146 : vector<1x2048xi32>
    %and3A_148 = arith.andi %and3A_144, %lt3A_147 : vector<1x2048xi1>
    %mul3A_149 = arith.mulf %add3A_123, %add3A_127 : vector<1x2048xf32>
    %convert_element_type3A = arith.extui %and3A_148 : vector<1x2048xi1> to vector<1x2048xi32>
    %convert_element_type3A_150 = arith.sitofp %convert_element_type3A : vector<1x2048xi32> to vector<1x2048xf32>
    %get3A_151 = arith.constant 0 : index
    %get3A_152 = arith.constant 0 : index
    %get3A_153 = arith.constant 0 : index
    %get3A_154 = vector.load %arg5[%get3A_151, %get3A_152, %get3A_153] : memref<1x2048x4xf32, #tpu.memory_space<vmem>>, vector<1x2048x1xf32>
    %get3A_155 = vector.shape_cast %get3A_154 : vector<1x2048x1xf32> to vector<2048x1xf32>
    %get3A_156 = arith.constant 0 : index
    %get3A_157 = arith.constant 0 : index
    %get3A_158 = arith.constant 1 : index
    %get3A_159 = vector.load %arg5[%get3A_156, %get3A_157, %get3A_158] : memref<1x2048x4xf32, #tpu.memory_space<vmem>>, vector<1x2048x1xf32>
    %get3A_160 = vector.shape_cast %get3A_159 : vector<1x2048x1xf32> to vector<2048x1xf32>
    %get3A_161 = arith.constant 0 : index
    %get3A_162 = arith.constant 0 : index
    %get3A_163 = arith.constant 2 : index
    %get3A_164 = vector.load %arg5[%get3A_161, %get3A_162, %get3A_163] : memref<1x2048x4xf32, #tpu.memory_space<vmem>>, vector<1x2048x1xf32>
    %get3A_165 = vector.shape_cast %get3A_164 : vector<1x2048x1xf32> to vector<2048x1xf32>
    %get3A_166 = arith.constant 0 : index
    %get3A_167 = arith.constant 0 : index
    %get3A_168 = arith.constant 3 : index
    %get3A_169 = vector.load %arg5[%get3A_166, %get3A_167, %get3A_168] : memref<1x2048x4xf32, #tpu.memory_space<vmem>>, vector<1x2048x1xf32>
    %get3A_170 = vector.shape_cast %get3A_169 : vector<1x2048x1xf32> to vector<2048x1xf32>
    %get3A_171 = arith.constant 0 : index
    %get3A_172 = arith.constant 0 : index
    %get3A_173 = arith.constant 0 : index
    %get3A_174 = vector.load %arg6[%get3A_171, %get3A_172, %get3A_173] : memref<1x2048x4xf32, #tpu.memory_space<vmem>>, vector<1x2048x1xf32>
    %get3A_175 = vector.shape_cast %get3A_174 : vector<1x2048x1xf32> to vector<2048x1xf32>
    %get3A_176 = arith.constant 0 : index
    %get3A_177 = arith.constant 0 : index
    %get3A_178 = arith.constant 1 : index
    %get3A_179 = vector.load %arg6[%get3A_176, %get3A_177, %get3A_178] : memref<1x2048x4xf32, #tpu.memory_space<vmem>>, vector<1x2048x1xf32>
    %get3A_180 = vector.shape_cast %get3A_179 : vector<1x2048x1xf32> to vector<2048x1xf32>
    %get3A_181 = arith.constant 0 : index
    %get3A_182 = arith.constant 0 : index
    %get3A_183 = arith.constant 2 : index
    %get3A_184 = vector.load %arg6[%get3A_181, %get3A_182, %get3A_183] : memref<1x2048x4xf32, #tpu.memory_space<vmem>>, vector<1x2048x1xf32>
    %get3A_185 = vector.shape_cast %get3A_184 : vector<1x2048x1xf32> to vector<2048x1xf32>
    %get3A_186 = arith.constant 0 : index
    %get3A_187 = arith.constant 0 : index
    %get3A_188 = arith.constant 3 : index
    %get3A_189 = vector.load %arg6[%get3A_186, %get3A_187, %get3A_188] : memref<1x2048x4xf32, #tpu.memory_space<vmem>>, vector<1x2048x1xf32>
    %get3A_190 = vector.shape_cast %get3A_189 : vector<1x2048x1xf32> to vector<2048x1xf32>
    %sub3A_191 = arith.subf %get3A_165, %get3A_155 : vector<2048x1xf32>
    %add3A_192 = arith.constant 1.000000e+00 : f32
    %add3A_193 = vector.broadcast %add3A_192 : f32 to vector<2048x1xf32>
    %add3A_194 = arith.addf %sub3A_191, %add3A_193 : vector<2048x1xf32>
    %sub3A_195 = arith.subf %get3A_170, %get3A_160 : vector<2048x1xf32>
    %add3A_196 = arith.constant 1.000000e+00 : f32
    %add3A_197 = vector.broadcast %add3A_196 : f32 to vector<2048x1xf32>
    %add3A_198 = arith.addf %sub3A_195, %add3A_197 : vector<2048x1xf32>
    %mul3A_199 = arith.constant 5.000000e-01 : f32
    %mul3A_200 = vector.broadcast %mul3A_199 : f32 to vector<2048x1xf32>
    %mul3A_201 = arith.mulf %mul3A_200, %add3A_194 : vector<2048x1xf32>
    %add3A_202 = arith.addf %get3A_155, %mul3A_201 : vector<2048x1xf32>
    %mul3A_203 = arith.constant 5.000000e-01 : f32
    %mul3A_204 = vector.broadcast %mul3A_203 : f32 to vector<2048x1xf32>
    %mul3A_205 = arith.mulf %mul3A_204, %add3A_198 : vector<2048x1xf32>
    %add3A_206 = arith.addf %get3A_160, %mul3A_205 : vector<2048x1xf32>
    %min3A_207 = arith.constant 4.13516665 : f32
    %min3A_208 = vector.broadcast %min3A_207 : f32 to vector<2048x1xf32>
    %min3A_209 = arith.minimumf %get3A_185, %min3A_208 : vector<2048x1xf32>
    %min3A_210 = arith.constant 4.13516665 : f32
    %min3A_211 = vector.broadcast %min3A_210 : f32 to vector<2048x1xf32>
    %min3A_212 = arith.minimumf %get3A_190, %min3A_211 : vector<2048x1xf32>
    %mul3A_213 = arith.mulf %get3A_175, %add3A_194 : vector<2048x1xf32>
    %add3A_214 = arith.addf %mul3A_213, %add3A_202 : vector<2048x1xf32>
    %mul3A_215 = arith.mulf %get3A_180, %add3A_198 : vector<2048x1xf32>
    %add3A_216 = arith.addf %mul3A_215, %add3A_206 : vector<2048x1xf32>
    %exp3A_217 = math.exp %min3A_209 : vector<2048x1xf32>
    %mul3A_218 = arith.mulf %exp3A_217, %add3A_194 : vector<2048x1xf32>
    %exp3A_219 = math.exp %min3A_212 : vector<2048x1xf32>
    %mul3A_220 = arith.mulf %exp3A_219, %add3A_198 : vector<2048x1xf32>
    %mul3A_221 = arith.constant 5.000000e-01 : f32
    %mul3A_222 = vector.broadcast %mul3A_221 : f32 to vector<2048x1xf32>
    %mul3A_223 = arith.mulf %mul3A_222, %mul3A_218 : vector<2048x1xf32>
    %sub3A_224 = arith.subf %add3A_214, %mul3A_223 : vector<2048x1xf32>
    %mul3A_225 = arith.constant 5.000000e-01 : f32
    %mul3A_226 = vector.broadcast %mul3A_225 : f32 to vector<2048x1xf32>
    %mul3A_227 = arith.mulf %mul3A_226, %mul3A_220 : vector<2048x1xf32>
    %sub3A_228 = arith.subf %add3A_216, %mul3A_227 : vector<2048x1xf32>
    %mul3A_229 = arith.constant 5.000000e-01 : f32
    %mul3A_230 = vector.broadcast %mul3A_229 : f32 to vector<2048x1xf32>
    %mul3A_231 = arith.mulf %mul3A_230, %mul3A_218 : vector<2048x1xf32>
    %add3A_232 = arith.addf %add3A_214, %mul3A_231 : vector<2048x1xf32>
    %sub3A_233 = arith.constant 1.000000e+00 : f32
    %sub3A_234 = vector.broadcast %sub3A_233 : f32 to vector<2048x1xf32>
    %sub3A_235 = arith.subf %add3A_232, %sub3A_234 : vector<2048x1xf32>
    %mul3A_236 = arith.constant 5.000000e-01 : f32
    %mul3A_237 = vector.broadcast %mul3A_236 : f32 to vector<2048x1xf32>
    %mul3A_238 = arith.mulf %mul3A_237, %mul3A_220 : vector<2048x1xf32>
    %add3A_239 = arith.addf %add3A_216, %mul3A_238 : vector<2048x1xf32>
    %sub3A_240 = arith.constant 1.000000e+00 : f32
    %sub3A_241 = vector.broadcast %sub3A_240 : f32 to vector<2048x1xf32>
    %sub3A_242 = arith.subf %add3A_239, %sub3A_241 : vector<2048x1xf32>
    %sub3A_243 = arith.constant 1.000000e+00 : f32
    %sub3A_244 = arith.subf %get3A_6, %sub3A_243 : f32
    %jit3A_245 = arith.constant 0.000000e+00 : f32
    %max3A_246 = vector.broadcast %jit3A_245 : f32 to vector<2048x1xf32>
    %max3A_247 = arith.maximumf %max3A_246, %sub3A_224 : vector<2048x1xf32>
    %min3A_248 = vector.broadcast %sub3A_244 : f32 to vector<2048x1xf32>
    %min3A_249 = arith.minimumf %min3A_248, %max3A_247 : vector<2048x1xf32>
    %sub3A_250 = arith.constant 1.000000e+00 : f32
    %sub3A_251 = arith.subf %get3A_2, %sub3A_250 : f32
    %jit3A_252 = arith.constant 0.000000e+00 : f32
    %max3A_253 = vector.broadcast %jit3A_252 : f32 to vector<2048x1xf32>
    %max3A_254 = arith.maximumf %max3A_253, %sub3A_228 : vector<2048x1xf32>
    %min3A_255 = vector.broadcast %sub3A_251 : f32 to vector<2048x1xf32>
    %min3A_256 = arith.minimumf %min3A_255, %max3A_254 : vector<2048x1xf32>
    %sub3A_257 = arith.constant 1.000000e+00 : f32
    %sub3A_258 = arith.subf %get3A_6, %sub3A_257 : f32
    %jit3A_259 = arith.constant 0.000000e+00 : f32
    %max3A_260 = vector.broadcast %jit3A_259 : f32 to vector<2048x1xf32>
    %max3A_261 = arith.maximumf %max3A_260, %sub3A_235 : vector<2048x1xf32>
    %min3A_262 = vector.broadcast %sub3A_258 : f32 to vector<2048x1xf32>
    %min3A_263 = arith.minimumf %min3A_262, %max3A_261 : vector<2048x1xf32>
    %sub3A_264 = arith.constant 1.000000e+00 : f32
    %sub3A_265 = arith.subf %get3A_2, %sub3A_264 : f32
    %jit3A_266 = arith.constant 0.000000e+00 : f32
    %max3A_267 = vector.broadcast %jit3A_266 : f32 to vector<2048x1xf32>
    %max3A_268 = arith.maximumf %max3A_267, %sub3A_242 : vector<2048x1xf32>
    %min3A_269 = vector.broadcast %sub3A_265 : f32 to vector<2048x1xf32>
    %min3A_270 = arith.minimumf %min3A_269, %max3A_268 : vector<2048x1xf32>
    %sub3A_271 = arith.subf %min3A_263, %min3A_249 : vector<2048x1xf32>
    %add3A_272 = arith.constant 1.000000e+00 : f32
    %add3A_273 = vector.broadcast %add3A_272 : f32 to vector<2048x1xf32>
    %add3A_274 = arith.addf %sub3A_271, %add3A_273 : vector<2048x1xf32>
    %sub3A_275 = arith.subf %min3A_270, %min3A_256 : vector<2048x1xf32>
    %add3A_276 = arith.constant 1.000000e+00 : f32
    %add3A_277 = vector.broadcast %add3A_276 : f32 to vector<2048x1xf32>
    %add3A_278 = arith.addf %sub3A_275, %add3A_277 : vector<2048x1xf32>
    %mul3A_279 = arith.mulf %add3A_274, %add3A_278 : vector<2048x1xf32>
    %swap3A = arith.constant 0 : index
    %swap3A_280 = arith.constant 0 : index
    %swap3A_281 = vector.load %arg10[%swap3A, %swap3A_280] : memref<2048x8xf32, #tpu.memory_space<vmem>>, vector<2048x1xf32>
    tpu.vector_store %arg10[%swap3A, %swap3A_280], %min3A_249 {strides = array<i32>} : memref<2048x8xf32, #tpu.memory_space<vmem>>, vector<2048x1xf32>,
    %swap3A_282 = arith.constant 0 : index
    %swap3A_283 = arith.constant 1 : index
    %swap3A_284 = vector.load %arg10[%swap3A_282, %swap3A_283] : memref<2048x8xf32, #tpu.memory_space<vmem>>, vector<2048x1xf32>
    tpu.vector_store %arg10[%swap3A_282, %swap3A_283], %min3A_256 {strides = array<i32>} : memref<2048x8xf32, #tpu.memory_space<vmem>>, vector<2048x1xf32>,
    %swap3A_285 = arith.constant 0 : index
    %swap3A_286 = arith.constant 2 : index
    %swap3A_287 = vector.load %arg10[%swap3A_285, %swap3A_286] : memref<2048x8xf32, #tpu.memory_space<vmem>>, vector<2048x1xf32>
    tpu.vector_store %arg10[%swap3A_285, %swap3A_286], %min3A_263 {strides = array<i32>} : memref<2048x8xf32, #tpu.memory_space<vmem>>, vector<2048x1xf32>,
    %swap3A_288 = arith.constant 0 : index
    %swap3A_289 = arith.constant 3 : index
    %swap3A_290 = vector.load %arg10[%swap3A_288, %swap3A_289] : memref<2048x8xf32, #tpu.memory_space<vmem>>, vector<2048x1xf32>
    tpu.vector_store %arg10[%swap3A_288, %swap3A_289], %min3A_270 {strides = array<i32>} : memref<2048x8xf32, #tpu.memory_space<vmem>>, vector<2048x1xf32>,
    %get3A_291 = arith.constant 0 : index
    %get3A_292 = arith.constant 0 : index
    %get3A_293 = arith.constant 0 : index
    %get3A_294 = vector.load %arg7[%get3A_291, %get3A_292, %get3A_293] : memref<1x2048x1xf32, #tpu.memory_space<vmem>>, vector<1x2048x1xf32>
    %get3A_295 = vector.shape_cast %get3A_294 : vector<1x2048x1xf32> to vector<2048x1xf32>
    %swap3A_296 = arith.constant 0 : index
    %swap3A_297 = arith.constant 4 : index
    %swap3A_298 = vector.load %arg10[%swap3A_296, %swap3A_297] : memref<2048x8xf32, #tpu.memory_space<vmem>>, vector<2048x1xf32>
    tpu.vector_store %arg10[%swap3A_296, %swap3A_297], %get3A_295 {strides = array<i32>} : memref<2048x8xf32, #tpu.memory_space<vmem>>, vector<2048x1xf32>,
    %broadcast_in_dim3A = arith.constant 1.000000e+00 : f32
    %broadcast_in_dim3A_299 = vector.broadcast %broadcast_in_dim3A : f32 to vector<2048x1xf32>
    %swap3A_300 = arith.constant 0 : index
    %swap3A_301 = arith.constant 5 : index
    %swap3A_302 = vector.load %arg10[%swap3A_300, %swap3A_301] : memref<2048x8xf32, #tpu.memory_space<vmem>>, vector<2048x1xf32>
    tpu.vector_store %arg10[%swap3A_300, %swap3A_301], %broadcast_in_dim3A_299 {strides = array<i32>} : memref<2048x8xf32, #tpu.memory_space<vmem>>, vector<2048x1xf32>,
    %broadcast_in_dim3A_303 = arith.constant 0.000000e+00 : f32
    %broadcast_in_dim3A_304 = vector.broadcast %broadcast_in_dim3A_303 : f32 to vector<2048x2xf32>
    %swap3A_305 = arith.constant 0 : index
    %swap3A_306 = arith.constant 6 : index
    %swap3A_307 = vector.load %arg10[%swap3A_305, %swap3A_306] : memref<2048x8xf32, #tpu.memory_space<vmem>>, vector<2048x2xf32>
    tpu.vector_store %arg10[%swap3A_305, %swap3A_306], %broadcast_in_dim3A_304 {strides = array<i32>} : memref<2048x8xf32, #tpu.memory_space<vmem>>, vector<2048x2xf32>,
    %slice3A = vector.extract_strided_slice %min3A_249 {offsets = [0, 0], sizes = [128, 1], strides = [1, 1]} : vector<2048x1xf32> to vector<128x1xf32>
    %slice3A_308 = vector.extract_strided_slice %min3A_256 {offsets = [0, 0], sizes = [128, 1], strides = [1, 1]} : vector<2048x1xf32> to vector<128x1xf32>
    %slice3A_309 = vector.extract_strided_slice %min3A_263 {offsets = [0, 0], sizes = [128, 1], strides = [1, 1]} : vector<2048x1xf32> to vector<128x1xf32>
    %slice3A_310 = vector.extract_strided_slice %min3A_270 {offsets = [0, 0], sizes = [128, 1], strides = [1, 1]} : vector<2048x1xf32> to vector<128x1xf32>
    %slice3A_311 = vector.extract_strided_slice %mul3A_279 {offsets = [0, 0], sizes = [128, 1], strides = [1, 1]} : vector<2048x1xf32> to vector<128x1xf32>
    %max3A_312 = vector.broadcast %slice3A : vector<128x1xf32> to vector<128x2048xf32>
    %max3A_313 = vector.broadcast %min3A_98 : vector<1x2048xf32> to vector<128x2048xf32>
    %max3A_314 = arith.maximumf %max3A_312, %max3A_313 : vector<128x2048xf32>
    %max3A_315 = vector.broadcast %slice3A_308 : vector<128x1xf32> to vector<128x2048xf32>
    %max3A_316 = vector.broadcast %min3A_105 : vector<1x2048xf32> to vector<128x2048xf32>
    %max3A_317 = arith.maximumf %max3A_315, %max3A_316 : vector<128x2048xf32>
    %min3A_318 = vector.broadcast %slice3A_309 : vector<128x1xf32> to vector<128x2048xf32>
    %min3A_319 = vector.broadcast %min3A_112 : vector<1x2048xf32> to vector<128x2048xf32>
    %min3A_320 = arith.minimumf %min3A_318, %min3A_319 : vector<128x2048xf32>
    %min3A_321 = vector.broadcast %slice3A_310 : vector<128x1xf32> to vector<128x2048xf32>
    %min3A_322 = vector.broadcast %min3A_119 : vector<1x2048xf32> to vector<128x2048xf32>
    %min3A_323 = arith.minimumf %min3A_321, %min3A_322 : vector<128x2048xf32>
    %sub3A_324 = arith.subf %min3A_320, %max3A_314 : vector<128x2048xf32>
    %add3A_325 = arith.constant 1.000000e+00 : f32
    %add3A_326 = vector.broadcast %add3A_325 : f32 to vector<128x2048xf32>
    %add3A_327 = arith.addf %sub3A_324, %add3A_326 : vector<128x2048xf32>
    %max3A_328 = arith.constant 0.000000e+00 : f32
    %max3A_329 = vector.broadcast %max3A_328 : f32 to vector<128x2048xf32>
    %max3A_330 = arith.maximumf %max3A_329, %add3A_327 : vector<128x2048xf32>
    %sub3A_331 = arith.subf %min3A_323, %max3A_317 : vector<128x2048xf32>
    %add3A_332 = arith.constant 1.000000e+00 : f32
    %add3A_333 = vector.broadcast %add3A_332 : f32 to vector<128x2048xf32>
    %add3A_334 = arith.addf %sub3A_331, %add3A_333 : vector<128x2048xf32>
    %max3A_335 = arith.constant 0.000000e+00 : f32
    %max3A_336 = vector.broadcast %max3A_335 : f32 to vector<128x2048xf32>
    %max3A_337 = arith.maximumf %max3A_336, %add3A_334 : vector<128x2048xf32>
    %mul3A_338 = arith.mulf %max3A_330, %max3A_337 : vector<128x2048xf32>
    %add3A_339 = vector.broadcast %slice3A_311 : vector<128x1xf32> to vector<128x2048xf32>
    %add3A_340 = vector.broadcast %mul3A_149 : vector<1x2048xf32> to vector<128x2048xf32>
    %add3A_341 = arith.addf %add3A_339, %add3A_340 : vector<128x2048xf32>
    %sub3A_342 = arith.subf %add3A_341, %mul3A_338 : vector<128x2048xf32>
    %div3A_343 = arith.divf %mul3A_338, %sub3A_342 : vector<128x2048xf32>
    %iota3A_344 = tpu.iota {dimensions = array<i32: 0>} : vector<128x2048xi32>
    %add3A_345 = arith.constant 0 : i32
    %add3A_346 = vector.broadcast %add3A_345 : i32 to vector<128x2048xi32>
    %add3A_347 = arith.addi %iota3A_344, %add3A_346 : vector<128x2048xi32>
    %gt3A = arith.constant 0.699999988 : f32
    %gt3A_348 = vector.broadcast %gt3A : f32 to vector<128x2048xf32>
    %gt3A_349 = arith.cmpf ogt, %div3A_343, %gt3A_348 : vector<128x2048xf32>
    %ne3A = vector.broadcast %iota3A : vector<1x2048xi32> to vector<128x2048xi32>
    %ne3A_350 = arith.cmpi ne, %add3A_347, %ne3A : vector<128x2048xi32>
    %and3A_351 = arith.andi %gt3A_349, %ne3A_350 : vector<128x2048xi1>
    %convert_element_type3A_352 = arith.extui %and3A_351 : vector<128x2048xi1> to vector<128x2048xi32>
    %convert_element_type3A_353 = arith.sitofp %convert_element_type3A_352 : vector<128x2048xi32> to vector<128x2048xf32>
    %swap3A_354 = arith.constant 0 : index
    %swap3A_355 = arith.constant 0 : index
    %swap3A_356 = vector.load %arg9[%swap3A_354, %swap3A_355] : memref<2048x2048xf32, #tpu.memory_space<vmem>>, vector<128x2048xf32>
    tpu.vector_store %arg9[%swap3A_354, %swap3A_355], %convert_element_type3A_353 {strides = array<i32>} : memref<2048x2048xf32, #tpu.memory_space<vmem>>, vector<128x2048xf32>,
    %slice3A_357 = vector.extract_strided_slice %min3A_249 {offsets = [128, 0], sizes = [128, 1], strides = [1, 1]} : vector<2048x1xf32> to vector<128x1xf32>
    %slice3A_358 = vector.extract_strided_slice %min3A_256 {offsets = [128, 0], sizes = [128, 1], strides = [1, 1]} : vector<2048x1xf32> to vector<128x1xf32>
    %slice3A_359 = vector.extract_strided_slice %min3A_263 {offsets = [128, 0], sizes = [128, 1], strides = [1, 1]} : vector<2048x1xf32> to vector<128x1xf32>
    %slice3A_360 = vector.extract_strided_slice %min3A_270 {offsets = [128, 0], sizes = [128, 1], strides = [1, 1]} : vector<2048x1xf32> to vector<128x1xf32>
    %slice3A_361 = vector.extract_strided_slice %mul3A_279 {offsets = [128, 0], sizes = [128, 1], strides = [1, 1]} : vector<2048x1xf32> to vector<128x1xf32>
    %max3A_362 = vector.broadcast %slice3A_357 : vector<128x1xf32> to vector<128x2048xf32>
    %max3A_363 = vector.broadcast %min3A_98 : vector<1x2048xf32> to vector<128x2048xf32>
    %max3A_364 = arith.maximumf %max3A_362, %max3A_363 : vector<128x2048xf32>
    %max3A_365 = vector.broadcast %slice3A_358 : vector<128x1xf32> to vector<128x2048xf32>
    %max3A_366 = vector.broadcast %min3A_105 : vector<1x2048xf32> to vector<128x2048xf32>
    %max3A_367 = arith.maximumf %max3A_365, %max3A_366 : vector<128x2048xf32>
    %min3A_368 = vector.broadcast %slice3A_359 : vector<128x1xf32> to vector<128x2048xf32>
    %min3A_369 = vector.broadcast %min3A_112 : vector<1x2048xf32> to vector<128x2048xf32>
    %min3A_370 = arith.minimumf %min3A_368, %min3A_369 : vector<128x2048xf32>
    %min3A_371 = vector.broadcast %slice3A_360 : vector<128x1xf32> to vector<128x2048xf32>
    %min3A_372 = vector.broadcast %min3A_119 : vector<1x2048xf32> to vector<128x2048xf32>
    %min3A_373 = arith.minimumf %min3A_371, %min3A_372 : vector<128x2048xf32>
    %sub3A_374 = arith.subf %min3A_370, %max3A_364 : vector<128x2048xf32>
    %add3A_375 = arith.constant 1.000000e+00 : f32
    %add3A_376 = vector.broadcast %add3A_375 : f32 to vector<128x2048xf32>
    %add3A_377 = arith.addf %sub3A_374, %add3A_376 : vector<128x2048xf32>
    %max3A_378 = arith.constant 0.000000e+00 : f32
    %max3A_379 = vector.broadcast %max3A_378 : f32 to vector<128x2048xf32>
    %max3A_380 = arith.maximumf %max3A_379, %add3A_377 : vector<128x2048xf32>
    %sub3A_381 = arith.subf %min3A_373, %max3A_367 : vector<128x2048xf32>
    %add3A_382 = arith.constant 1.000000e+00 : f32
    %add3A_383 = vector.broadcast %add3A_382 : f32 to vector<128x2048xf32>
    %add3A_384 = arith.addf %sub3A_381, %add3A_383 : vector<128x2048xf32>
    %max3A_385 = arith.constant 0.000000e+00 : f32
    %max3A_386 = vector.broadcast %max3A_385 : f32 to vector<128x2048xf32>
    %max3A_387 = arith.maximumf %max3A_386, %add3A_384 : vector<128x2048xf32>
    %mul3A_388 = arith.mulf %max3A_380, %max3A_387 : vector<128x2048xf32>
    %add3A_389 = vector.broadcast %slice3A_361 : vector<128x1xf32> to vector<128x2048xf32>
    %add3A_390 = vector.broadcast %mul3A_149 : vector<1x2048xf32> to vector<128x2048xf32>
    %add3A_391 = arith.addf %add3A_389, %add3A_390 : vector<128x2048xf32>
    %sub3A_392 = arith.subf %add3A_391, %mul3A_388 : vector<128x2048xf32>
    %div3A_393 = arith.divf %mul3A_388, %sub3A_392 : vector<128x2048xf32>
    %iota3A_394 = tpu.iota {dimensions = array<i32: 0>} : vector<128x2048xi32>
    %add3A_395 = arith.constant 128 : i32
    %add3A_396 = vector.broadcast %add3A_395 : i32 to vector<128x2048xi32>
    %add3A_397 = arith.addi %iota3A_394, %add3A_396 : vector<128x2048xi32>
    %gt3A_398 = arith.constant 0.699999988 : f32
    %gt3A_399 = vector.broadcast %gt3A_398 : f32 to vector<128x2048xf32>
    %gt3A_400 = arith.cmpf ogt, %div3A_393, %gt3A_399 : vector<128x2048xf32>
    %ne3A_401 = vector.broadcast %iota3A : vector<1x2048xi32> to vector<128x2048xi32>
    %ne3A_402 = arith.cmpi ne, %add3A_397, %ne3A_401 : vector<128x2048xi32>
    %and3A_403 = arith.andi %gt3A_400, %ne3A_402 : vector<128x2048xi1>
    %convert_element_type3A_404 = arith.extui %and3A_403 : vector<128x2048xi1> to vector<128x2048xi32>
    %convert_element_type3A_405 = arith.sitofp %convert_element_type3A_404 : vector<128x2048xi32> to vector<128x2048xf32>
    %swap3A_406 = arith.constant 128 : index
    %swap3A_407 = arith.constant 0 : index
    %swap3A_408 = vector.load %arg9[%swap3A_406, %swap3A_407] : memref<2048x2048xf32, #tpu.memory_space<vmem>>, vector<128x2048xf32>
    tpu.vector_store %arg9[%swap3A_406, %swap3A_407], %convert_element_type3A_405 {strides = array<i32>} : memref<2048x2048xf32, #tpu.memory_space<vmem>>, vector<128x2048xf32>,
    %slice3A_409 = vector.extract_strided_slice %min3A_249 {offsets = [256, 0], sizes = [128, 1], strides = [1, 1]} : vector<2048x1xf32> to vector<128x1xf32>
    %slice3A_410 = vector.extract_strided_slice %min3A_256 {offsets = [256, 0], sizes = [128, 1], strides = [1, 1]} : vector<2048x1xf32> to vector<128x1xf32>
    %slice3A_411 = vector.extract_strided_slice %min3A_263 {offsets = [256, 0], sizes = [128, 1], strides = [1, 1]} : vector<2048x1xf32> to vector<128x1xf32>
    %slice3A_412 = vector.extract_strided_slice %min3A_270 {offsets = [256, 0], sizes = [128, 1], strides = [1, 1]} : vector<2048x1xf32> to vector<128x1xf32>
    %slice3A_413 = vector.extract_strided_slice %mul3A_279 {offsets = [256, 0], sizes = [128, 1], strides = [1, 1]} : vector<2048x1xf32> to vector<128x1xf32>
    %max3A_414 = vector.broadcast %slice3A_409 : vector<128x1xf32> to vector<128x2048xf32>
    %max3A_415 = vector.broadcast %min3A_98 : vector<1x2048xf32> to vector<128x2048xf32>
    %max3A_416 = arith.maximumf %max3A_414, %max3A_415 : vector<128x2048xf32>
    %max3A_417 = vector.broadcast %slice3A_410 : vector<128x1xf32> to vector<128x2048xf32>
    %max3A_418 = vector.broadcast %min3A_105 : vector<1x2048xf32> to vector<128x2048xf32>
    %max3A_419 = arith.maximumf %max3A_417, %max3A_418 : vector<128x2048xf32>
    %min3A_420 = vector.broadcast %slice3A_411 : vector<128x1xf32> to vector<128x2048xf32>
    %min3A_421 = vector.broadcast %min3A_112 : vector<1x2048xf32> to vector<128x2048xf32>
    %min3A_422 = arith.minimumf %min3A_420, %min3A_421 : vector<128x2048xf32>
    %min3A_423 = vector.broadcast %slice3A_412 : vector<128x1xf32> to vector<128x2048xf32>
    %min3A_424 = vector.broadcast %min3A_119 : vector<1x2048xf32> to vector<128x2048xf32>
    %min3A_425 = arith.minimumf %min3A_423, %min3A_424 : vector<128x2048xf32>
    %sub3A_426 = arith.subf %min3A_422, %max3A_416 : vector<128x2048xf32>
    %add3A_427 = arith.constant 1.000000e+00 : f32
    %add3A_428 = vector.broadcast %add3A_427 : f32 to vector<128x2048xf32>
    %add3A_429 = arith.addf %sub3A_426, %add3A_428 : vector<128x2048xf32>
    %max3A_430 = arith.constant 0.000000e+00 : f32
    %max3A_431 = vector.broadcast %max3A_430 : f32 to vector<128x2048xf32>
    %max3A_432 = arith.maximumf %max3A_431, %add3A_429 : vector<128x2048xf32>
    %sub3A_433 = arith.subf %min3A_425, %max3A_419 : vector<128x2048xf32>
    %add3A_434 = arith.constant 1.000000e+00 : f32
    %add3A_435 = vector.broadcast %add3A_434 : f32 to vector<128x2048xf32>
    %add3A_436 = arith.addf %sub3A_433, %add3A_435 : vector<128x2048xf32>
    %max3A_437 = arith.constant 0.000000e+00 : f32
    %max3A_438 = vector.broadcast %max3A_437 : f32 to vector<128x2048xf32>
    %max3A_439 = arith.maximumf %max3A_438, %add3A_436 : vector<128x2048xf32>
    %mul3A_440 = arith.mulf %max3A_432, %max3A_439 : vector<128x2048xf32>
    %add3A_441 = vector.broadcast %slice3A_413 : vector<128x1xf32> to vector<128x2048xf32>
    %add3A_442 = vector.broadcast %mul3A_149 : vector<1x2048xf32> to vector<128x2048xf32>
    %add3A_443 = arith.addf %add3A_441, %add3A_442 : vector<128x2048xf32>
    %sub3A_444 = arith.subf %add3A_443, %mul3A_440 : vector<128x2048xf32>
    %div3A_445 = arith.divf %mul3A_440, %sub3A_444 : vector<128x2048xf32>
    %iota3A_446 = tpu.iota {dimensions = array<i32: 0>} : vector<128x2048xi32>
    %add3A_447 = arith.constant 256 : i32
    %add3A_448 = vector.broadcast %add3A_447 : i32 to vector<128x2048xi32>
    %add3A_449 = arith.addi %iota3A_446, %add3A_448 : vector<128x2048xi32>
    %gt3A_450 = arith.constant 0.699999988 : f32
    %gt3A_451 = vector.broadcast %gt3A_450 : f32 to vector<128x2048xf32>
    %gt3A_452 = arith.cmpf ogt, %div3A_445, %gt3A_451 : vector<128x2048xf32>
    %ne3A_453 = vector.broadcast %iota3A : vector<1x2048xi32> to vector<128x2048xi32>
    %ne3A_454 = arith.cmpi ne, %add3A_449, %ne3A_453 : vector<128x2048xi32>
    %and3A_455 = arith.andi %gt3A_452, %ne3A_454 : vector<128x2048xi1>
    %convert_element_type3A_456 = arith.extui %and3A_455 : vector<128x2048xi1> to vector<128x2048xi32>
    %convert_element_type3A_457 = arith.sitofp %convert_element_type3A_456 : vector<128x2048xi32> to vector<128x2048xf32>
    %swap3A_458 = arith.constant 256 : index
    %swap3A_459 = arith.constant 0 : index
    %swap3A_460 = vector.load %arg9[%swap3A_458, %swap3A_459] : memref<2048x2048xf32, #tpu.memory_space<vmem>>, vector<128x2048xf32>
    tpu.vector_store %arg9[%swap3A_458, %swap3A_459], %convert_element_type3A_457 {strides = array<i32>} : memref<2048x2048xf32, #tpu.memory_space<vmem>>, vector<128x2048xf32>,
    %slice3A_461 = vector.extract_strided_slice %min3A_249 {offsets = [384, 0], sizes = [128, 1], strides = [1, 1]} : vector<2048x1xf32> to vector<128x1xf32>
    %slice3A_462 = vector.extract_strided_slice %min3A_256 {offsets = [384, 0], sizes = [128, 1], strides = [1, 1]} : vector<2048x1xf32> to vector<128x1xf32>
    %slice3A_463 = vector.extract_strided_slice %min3A_263 {offsets = [384, 0], sizes = [128, 1], strides = [1, 1]} : vector<2048x1xf32> to vector<128x1xf32>
    %slice3A_464 = vector.extract_strided_slice %min3A_270 {offsets = [384, 0], sizes = [128, 1], strides = [1, 1]} : vector<2048x1xf32> to vector<128x1xf32>
    %slice3A_465 = vector.extract_strided_slice %mul3A_279 {offsets = [384, 0], sizes = [128, 1], strides = [1, 1]} : vector<2048x1xf32> to vector<128x1xf32>
    %max3A_466 = vector.broadcast %slice3A_461 : vector<128x1xf32> to vector<128x2048xf32>
    %max3A_467 = vector.broadcast %min3A_98 : vector<1x2048xf32> to vector<128x2048xf32>
    %max3A_468 = arith.maximumf %max3A_466, %max3A_467 : vector<128x2048xf32>
    %max3A_469 = vector.broadcast %slice3A_462 : vector<128x1xf32> to vector<128x2048xf32>
    %max3A_470 = vector.broadcast %min3A_105 : vector<1x2048xf32> to vector<128x2048xf32>
    %max3A_471 = arith.maximumf %max3A_469, %max3A_470 : vector<128x2048xf32>
    %min3A_472 = vector.broadcast %slice3A_463 : vector<128x1xf32> to vector<128x2048xf32>
    %min3A_473 = vector.broadcast %min3A_112 : vector<1x2048xf32> to vector<128x2048xf32>
    %min3A_474 = arith.minimumf %min3A_472, %min3A_473 : vector<128x2048xf32>
    %min3A_475 = vector.broadcast %slice3A_464 : vector<128x1xf32> to vector<128x2048xf32>
    %min3A_476 = vector.broadcast %min3A_119 : vector<1x2048xf32> to vector<128x2048xf32>
    %min3A_477 = arith.minimumf %min3A_475, %min3A_476 : vector<128x2048xf32>
    %sub3A_478 = arith.subf %min3A_474, %max3A_468 : vector<128x2048xf32>
    %add3A_479 = arith.constant 1.000000e+00 : f32
    %add3A_480 = vector.broadcast %add3A_479 : f32 to vector<128x2048xf32>
    %add3A_481 = arith.addf %sub3A_478, %add3A_480 : vector<128x2048xf32>
    %max3A_482 = arith.constant 0.000000e+00 : f32
    %max3A_483 = vector.broadcast %max3A_482 : f32 to vector<128x2048xf32>
    %max3A_484 = arith.maximumf %max3A_483, %add3A_481 : vector<128x2048xf32>
    %sub3A_485 = arith.subf %min3A_477, %max3A_471 : vector<128x2048xf32>
    %add3A_486 = arith.constant 1.000000e+00 : f32
    %add3A_487 = vector.broadcast %add3A_486 : f32 to vector<128x2048xf32>
    %add3A_488 = arith.addf %sub3A_485, %add3A_487 : vector<128x2048xf32>
    %max3A_489 = arith.constant 0.000000e+00 : f32
    %max3A_490 = vector.broadcast %max3A_489 : f32 to vector<128x2048xf32>
    %max3A_491 = arith.maximumf %max3A_490, %add3A_488 : vector<128x2048xf32>
    %mul3A_492 = arith.mulf %max3A_484, %max3A_491 : vector<128x2048xf32>
    %add3A_493 = vector.broadcast %slice3A_465 : vector<128x1xf32> to vector<128x2048xf32>
    %add3A_494 = vector.broadcast %mul3A_149 : vector<1x2048xf32> to vector<128x2048xf32>
    %add3A_495 = arith.addf %add3A_493, %add3A_494 : vector<128x2048xf32>
    %sub3A_496 = arith.subf %add3A_495, %mul3A_492 : vector<128x2048xf32>
    %div3A_497 = arith.divf %mul3A_492, %sub3A_496 : vector<128x2048xf32>
    %iota3A_498 = tpu.iota {dimensions = array<i32: 0>} : vector<128x2048xi32>
    %add3A_499 = arith.constant 384 : i32
    %add3A_500 = vector.broadcast %add3A_499 : i32 to vector<128x2048xi32>
    %add3A_501 = arith.addi %iota3A_498, %add3A_500 : vector<128x2048xi32>
    %gt3A_502 = arith.constant 0.699999988 : f32
    %gt3A_503 = vector.broadcast %gt3A_502 : f32 to vector<128x2048xf32>
    %gt3A_504 = arith.cmpf ogt, %div3A_497, %gt3A_503 : vector<128x2048xf32>
    %ne3A_505 = vector.broadcast %iota3A : vector<1x2048xi32> to vector<128x2048xi32>
    %ne3A_506 = arith.cmpi ne, %add3A_501, %ne3A_505 : vector<128x2048xi32>
    %and3A_507 = arith.andi %gt3A_504, %ne3A_506 : vector<128x2048xi1>
    %convert_element_type3A_508 = arith.extui %and3A_507 : vector<128x2048xi1> to vector<128x2048xi32>
    %convert_element_type3A_509 = arith.sitofp %convert_element_type3A_508 : vector<128x2048xi32> to vector<128x2048xf32>
    %swap3A_510 = arith.constant 384 : index
    %swap3A_511 = arith.constant 0 : index
    %swap3A_512 = vector.load %arg9[%swap3A_510, %swap3A_511] : memref<2048x2048xf32, #tpu.memory_space<vmem>>, vector<128x2048xf32>
    tpu.vector_store %arg9[%swap3A_510, %swap3A_511], %convert_element_type3A_509 {strides = array<i32>} : memref<2048x2048xf32, #tpu.memory_space<vmem>>, vector<128x2048xf32>,
    %slice3A_513 = vector.extract_strided_slice %min3A_249 {offsets = [512, 0], sizes = [128, 1], strides = [1, 1]} : vector<2048x1xf32> to vector<128x1xf32>
    %slice3A_514 = vector.extract_strided_slice %min3A_256 {offsets = [512, 0], sizes = [128, 1], strides = [1, 1]} : vector<2048x1xf32> to vector<128x1xf32>
    %slice3A_515 = vector.extract_strided_slice %min3A_263 {offsets = [512, 0], sizes = [128, 1], strides = [1, 1]} : vector<2048x1xf32> to vector<128x1xf32>
    %slice3A_516 = vector.extract_strided_slice %min3A_270 {offsets = [512, 0], sizes = [128, 1], strides = [1, 1]} : vector<2048x1xf32> to vector<128x1xf32>
    %slice3A_517 = vector.extract_strided_slice %mul3A_279 {offsets = [512, 0], sizes = [128, 1], strides = [1, 1]} : vector<2048x1xf32> to vector<128x1xf32>
    %max3A_518 = vector.broadcast %slice3A_513 : vector<128x1xf32> to vector<128x2048xf32>
    %max3A_519 = vector.broadcast %min3A_98 : vector<1x2048xf32> to vector<128x2048xf32>
    %max3A_520 = arith.maximumf %max3A_518, %max3A_519 : vector<128x2048xf32>
    %max3A_521 = vector.broadcast %slice3A_514 : vector<128x1xf32> to vector<128x2048xf32>
    %max3A_522 = vector.broadcast %min3A_105 : vector<1x2048xf32> to vector<128x2048xf32>
    %max3A_523 = arith.maximumf %max3A_521, %max3A_522 : vector<128x2048xf32>
    %min3A_524 = vector.broadcast %slice3A_515 : vector<128x1xf32> to vector<128x2048xf32>
    %min3A_525 = vector.broadcast %min3A_112 : vector<1x2048xf32> to vector<128x2048xf32>
    %min3A_526 = arith.minimumf %min3A_524, %min3A_525 : vector<128x2048xf32>
    %min3A_527 = vector.broadcast %slice3A_516 : vector<128x1xf32> to vector<128x2048xf32>
    %min3A_528 = vector.broadcast %min3A_119 : vector<1x2048xf32> to vector<128x2048xf32>
    %min3A_529 = arith.minimumf %min3A_527, %min3A_528 : vector<128x2048xf32>
    %sub3A_530 = arith.subf %min3A_526, %max3A_520 : vector<128x2048xf32>
    %add3A_531 = arith.constant 1.000000e+00 : f32
    %add3A_532 = vector.broadcast %add3A_531 : f32 to vector<128x2048xf32>
    %add3A_533 = arith.addf %sub3A_530, %add3A_532 : vector<128x2048xf32>
    %max3A_534 = arith.constant 0.000000e+00 : f32
    %max3A_535 = vector.broadcast %max3A_534 : f32 to vector<128x2048xf32>
    %max3A_536 = arith.maximumf %max3A_535, %add3A_533 : vector<128x2048xf32>
    %sub3A_537 = arith.subf %min3A_529, %max3A_523 : vector<128x2048xf32>
    %add3A_538 = arith.constant 1.000000e+00 : f32
    %add3A_539 = vector.broadcast %add3A_538 : f32 to vector<128x2048xf32>
    %add3A_540 = arith.addf %sub3A_537, %add3A_539 : vector<128x2048xf32>
    %max3A_541 = arith.constant 0.000000e+00 : f32
    %max3A_542 = vector.broadcast %max3A_541 : f32 to vector<128x2048xf32>
    %max3A_543 = arith.maximumf %max3A_542, %add3A_540 : vector<128x2048xf32>
    %mul3A_544 = arith.mulf %max3A_536, %max3A_543 : vector<128x2048xf32>
    %add3A_545 = vector.broadcast %slice3A_517 : vector<128x1xf32> to vector<128x2048xf32>
    %add3A_546 = vector.broadcast %mul3A_149 : vector<1x2048xf32> to vector<128x2048xf32>
    %add3A_547 = arith.addf %add3A_545, %add3A_546 : vector<128x2048xf32>
    %sub3A_548 = arith.subf %add3A_547, %mul3A_544 : vector<128x2048xf32>
    %div3A_549 = arith.divf %mul3A_544, %sub3A_548 : vector<128x2048xf32>
    %iota3A_550 = tpu.iota {dimensions = array<i32: 0>} : vector<128x2048xi32>
    %add3A_551 = arith.constant 512 : i32
    %add3A_552 = vector.broadcast %add3A_551 : i32 to vector<128x2048xi32>
    %add3A_553 = arith.addi %iota3A_550, %add3A_552 : vector<128x2048xi32>
    %gt3A_554 = arith.constant 0.699999988 : f32
    %gt3A_555 = vector.broadcast %gt3A_554 : f32 to vector<128x2048xf32>
    %gt3A_556 = arith.cmpf ogt, %div3A_549, %gt3A_555 : vector<128x2048xf32>
    %ne3A_557 = vector.broadcast %iota3A : vector<1x2048xi32> to vector<128x2048xi32>
    %ne3A_558 = arith.cmpi ne, %add3A_553, %ne3A_557 : vector<128x2048xi32>
    %and3A_559 = arith.andi %gt3A_556, %ne3A_558 : vector<128x2048xi1>
    %convert_element_type3A_560 = arith.extui %and3A_559 : vector<128x2048xi1> to vector<128x2048xi32>
    %convert_element_type3A_561 = arith.sitofp %convert_element_type3A_560 : vector<128x2048xi32> to vector<128x2048xf32>
    %swap3A_562 = arith.constant 512 : index
    %swap3A_563 = arith.constant 0 : index
    %swap3A_564 = vector.load %arg9[%swap3A_562, %swap3A_563] : memref<2048x2048xf32, #tpu.memory_space<vmem>>, vector<128x2048xf32>
    tpu.vector_store %arg9[%swap3A_562, %swap3A_563], %convert_element_type3A_561 {strides = array<i32>} : memref<2048x2048xf32, #tpu.memory_space<vmem>>, vector<128x2048xf32>,
    %slice3A_565 = vector.extract_strided_slice %min3A_249 {offsets = [640, 0], sizes = [128, 1], strides = [1, 1]} : vector<2048x1xf32> to vector<128x1xf32>
    %slice3A_566 = vector.extract_strided_slice %min3A_256 {offsets = [640, 0], sizes = [128, 1], strides = [1, 1]} : vector<2048x1xf32> to vector<128x1xf32>
    %slice3A_567 = vector.extract_strided_slice %min3A_263 {offsets = [640, 0], sizes = [128, 1], strides = [1, 1]} : vector<2048x1xf32> to vector<128x1xf32>
    %slice3A_568 = vector.extract_strided_slice %min3A_270 {offsets = [640, 0], sizes = [128, 1], strides = [1, 1]} : vector<2048x1xf32> to vector<128x1xf32>
    %slice3A_569 = vector.extract_strided_slice %mul3A_279 {offsets = [640, 0], sizes = [128, 1], strides = [1, 1]} : vector<2048x1xf32> to vector<128x1xf32>
    %max3A_570 = vector.broadcast %slice3A_565 : vector<128x1xf32> to vector<128x2048xf32>
    %max3A_571 = vector.broadcast %min3A_98 : vector<1x2048xf32> to vector<128x2048xf32>
    %max3A_572 = arith.maximumf %max3A_570, %max3A_571 : vector<128x2048xf32>
    %max3A_573 = vector.broadcast %slice3A_566 : vector<128x1xf32> to vector<128x2048xf32>
    %max3A_574 = vector.broadcast %min3A_105 : vector<1x2048xf32> to vector<128x2048xf32>
    %max3A_575 = arith.maximumf %max3A_573, %max3A_574 : vector<128x2048xf32>
    %min3A_576 = vector.broadcast %slice3A_567 : vector<128x1xf32> to vector<128x2048xf32>
    %min3A_577 = vector.broadcast %min3A_112 : vector<1x2048xf32> to vector<128x2048xf32>
    %min3A_578 = arith.minimumf %min3A_576, %min3A_577 : vector<128x2048xf32>
    %min3A_579 = vector.broadcast %slice3A_568 : vector<128x1xf32> to vector<128x2048xf32>
    %min3A_580 = vector.broadcast %min3A_119 : vector<1x2048xf32> to vector<128x2048xf32>
    %min3A_581 = arith.minimumf %min3A_579, %min3A_580 : vector<128x2048xf32>
    %sub3A_582 = arith.subf %min3A_578, %max3A_572 : vector<128x2048xf32>
    %add3A_583 = arith.constant 1.000000e+00 : f32
    %add3A_584 = vector.broadcast %add3A_583 : f32 to vector<128x2048xf32>
    %add3A_585 = arith.addf %sub3A_582, %add3A_584 : vector<128x2048xf32>
    %max3A_586 = arith.constant 0.000000e+00 : f32
    %max3A_587 = vector.broadcast %max3A_586 : f32 to vector<128x2048xf32>
    %max3A_588 = arith.maximumf %max3A_587, %add3A_585 : vector<128x2048xf32>
    %sub3A_589 = arith.subf %min3A_581, %max3A_575 : vector<128x2048xf32>
    %add3A_590 = arith.constant 1.000000e+00 : f32
    %add3A_591 = vector.broadcast %add3A_590 : f32 to vector<128x2048xf32>
    %add3A_592 = arith.addf %sub3A_589, %add3A_591 : vector<128x2048xf32>
    %max3A_593 = arith.constant 0.000000e+00 : f32
    %max3A_594 = vector.broadcast %max3A_593 : f32 to vector<128x2048xf32>
    %max3A_595 = arith.maximumf %max3A_594, %add3A_592 : vector<128x2048xf32>
    %mul3A_596 = arith.mulf %max3A_588, %max3A_595 : vector<128x2048xf32>
    %add3A_597 = vector.broadcast %slice3A_569 : vector<128x1xf32> to vector<128x2048xf32>
    %add3A_598 = vector.broadcast %mul3A_149 : vector<1x2048xf32> to vector<128x2048xf32>
    %add3A_599 = arith.addf %add3A_597, %add3A_598 : vector<128x2048xf32>
    %sub3A_600 = arith.subf %add3A_599, %mul3A_596 : vector<128x2048xf32>
    %div3A_601 = arith.divf %mul3A_596, %sub3A_600 : vector<128x2048xf32>
    %iota3A_602 = tpu.iota {dimensions = array<i32: 0>} : vector<128x2048xi32>
    %add3A_603 = arith.constant 640 : i32
    %add3A_604 = vector.broadcast %add3A_603 : i32 to vector<128x2048xi32>
    %add3A_605 = arith.addi %iota3A_602, %add3A_604 : vector<128x2048xi32>
    %gt3A_606 = arith.constant 0.699999988 : f32
    %gt3A_607 = vector.broadcast %gt3A_606 : f32 to vector<128x2048xf32>
    %gt3A_608 = arith.cmpf ogt, %div3A_601, %gt3A_607 : vector<128x2048xf32>
    %ne3A_609 = vector.broadcast %iota3A : vector<1x2048xi32> to vector<128x2048xi32>
    %ne3A_610 = arith.cmpi ne, %add3A_605, %ne3A_609 : vector<128x2048xi32>
    %and3A_611 = arith.andi %gt3A_608, %ne3A_610 : vector<128x2048xi1>
    %convert_element_type3A_612 = arith.extui %and3A_611 : vector<128x2048xi1> to vector<128x2048xi32>
    %convert_element_type3A_613 = arith.sitofp %convert_element_type3A_612 : vector<128x2048xi32> to vector<128x2048xf32>
    %swap3A_614 = arith.constant 640 : index
    %swap3A_615 = arith.constant 0 : index
    %swap3A_616 = vector.load %arg9[%swap3A_614, %swap3A_615] : memref<2048x2048xf32, #tpu.memory_space<vmem>>, vector<128x2048xf32>
    tpu.vector_store %arg9[%swap3A_614, %swap3A_615], %convert_element_type3A_613 {strides = array<i32>} : memref<2048x2048xf32, #tpu.memory_space<vmem>>, vector<128x2048xf32>,
    %slice3A_617 = vector.extract_strided_slice %min3A_249 {offsets = [768, 0], sizes = [128, 1], strides = [1, 1]} : vector<2048x1xf32> to vector<128x1xf32>
    %slice3A_618 = vector.extract_strided_slice %min3A_256 {offsets = [768, 0], sizes = [128, 1], strides = [1, 1]} : vector<2048x1xf32> to vector<128x1xf32>
    %slice3A_619 = vector.extract_strided_slice %min3A_263 {offsets = [768, 0], sizes = [128, 1], strides = [1, 1]} : vector<2048x1xf32> to vector<128x1xf32>
    %slice3A_620 = vector.extract_strided_slice %min3A_270 {offsets = [768, 0], sizes = [128, 1], strides = [1, 1]} : vector<2048x1xf32> to vector<128x1xf32>
    %slice3A_621 = vector.extract_strided_slice %mul3A_279 {offsets = [768, 0], sizes = [128, 1], strides = [1, 1]} : vector<2048x1xf32> to vector<128x1xf32>
    %max3A_622 = vector.broadcast %slice3A_617 : vector<128x1xf32> to vector<128x2048xf32>
    %max3A_623 = vector.broadcast %min3A_98 : vector<1x2048xf32> to vector<128x2048xf32>
    %max3A_624 = arith.maximumf %max3A_622, %max3A_623 : vector<128x2048xf32>
    %max3A_625 = vector.broadcast %slice3A_618 : vector<128x1xf32> to vector<128x2048xf32>
    %max3A_626 = vector.broadcast %min3A_105 : vector<1x2048xf32> to vector<128x2048xf32>
    %max3A_627 = arith.maximumf %max3A_625, %max3A_626 : vector<128x2048xf32>
    %min3A_628 = vector.broadcast %slice3A_619 : vector<128x1xf32> to vector<128x2048xf32>
    %min3A_629 = vector.broadcast %min3A_112 : vector<1x2048xf32> to vector<128x2048xf32>
    %min3A_630 = arith.minimumf %min3A_628, %min3A_629 : vector<128x2048xf32>
    %min3A_631 = vector.broadcast %slice3A_620 : vector<128x1xf32> to vector<128x2048xf32>
    %min3A_632 = vector.broadcast %min3A_119 : vector<1x2048xf32> to vector<128x2048xf32>
    %min3A_633 = arith.minimumf %min3A_631, %min3A_632 : vector<128x2048xf32>
    %sub3A_634 = arith.subf %min3A_630, %max3A_624 : vector<128x2048xf32>
    %add3A_635 = arith.constant 1.000000e+00 : f32
    %add3A_636 = vector.broadcast %add3A_635 : f32 to vector<128x2048xf32>
    %add3A_637 = arith.addf %sub3A_634, %add3A_636 : vector<128x2048xf32>
    %max3A_638 = arith.constant 0.000000e+00 : f32
    %max3A_639 = vector.broadcast %max3A_638 : f32 to vector<128x2048xf32>
    %max3A_640 = arith.maximumf %max3A_639, %add3A_637 : vector<128x2048xf32>
    %sub3A_641 = arith.subf %min3A_633, %max3A_627 : vector<128x2048xf32>
    %add3A_642 = arith.constant 1.000000e+00 : f32
    %add3A_643 = vector.broadcast %add3A_642 : f32 to vector<128x2048xf32>
    %add3A_644 = arith.addf %sub3A_641, %add3A_643 : vector<128x2048xf32>
    %max3A_645 = arith.constant 0.000000e+00 : f32
    %max3A_646 = vector.broadcast %max3A_645 : f32 to vector<128x2048xf32>
    %max3A_647 = arith.maximumf %max3A_646, %add3A_644 : vector<128x2048xf32>
    %mul3A_648 = arith.mulf %max3A_640, %max3A_647 : vector<128x2048xf32>
    %add3A_649 = vector.broadcast %slice3A_621 : vector<128x1xf32> to vector<128x2048xf32>
    %add3A_650 = vector.broadcast %mul3A_149 : vector<1x2048xf32> to vector<128x2048xf32>
    %add3A_651 = arith.addf %add3A_649, %add3A_650 : vector<128x2048xf32>
    %sub3A_652 = arith.subf %add3A_651, %mul3A_648 : vector<128x2048xf32>
    %div3A_653 = arith.divf %mul3A_648, %sub3A_652 : vector<128x2048xf32>
    %iota3A_654 = tpu.iota {dimensions = array<i32: 0>} : vector<128x2048xi32>
    %add3A_655 = arith.constant 768 : i32
    %add3A_656 = vector.broadcast %add3A_655 : i32 to vector<128x2048xi32>
    %add3A_657 = arith.addi %iota3A_654, %add3A_656 : vector<128x2048xi32>
    %gt3A_658 = arith.constant 0.699999988 : f32
    %gt3A_659 = vector.broadcast %gt3A_658 : f32 to vector<128x2048xf32>
    %gt3A_660 = arith.cmpf ogt, %div3A_653, %gt3A_659 : vector<128x2048xf32>
    %ne3A_661 = vector.broadcast %iota3A : vector<1x2048xi32> to vector<128x2048xi32>
    %ne3A_662 = arith.cmpi ne, %add3A_657, %ne3A_661 : vector<128x2048xi32>
    %and3A_663 = arith.andi %gt3A_660, %ne3A_662 : vector<128x2048xi1>
    %convert_element_type3A_664 = arith.extui %and3A_663 : vector<128x2048xi1> to vector<128x2048xi32>
    %convert_element_type3A_665 = arith.sitofp %convert_element_type3A_664 : vector<128x2048xi32> to vector<128x2048xf32>
    %swap3A_666 = arith.constant 768 : index
    %swap3A_667 = arith.constant 0 : index
    %swap3A_668 = vector.load %arg9[%swap3A_666, %swap3A_667] : memref<2048x2048xf32, #tpu.memory_space<vmem>>, vector<128x2048xf32>
    tpu.vector_store %arg9[%swap3A_666, %swap3A_667], %convert_element_type3A_665 {strides = array<i32>} : memref<2048x2048xf32, #tpu.memory_space<vmem>>, vector<128x2048xf32>,
    %slice3A_669 = vector.extract_strided_slice %min3A_249 {offsets = [896, 0], sizes = [128, 1], strides = [1, 1]} : vector<2048x1xf32> to vector<128x1xf32>
    %slice3A_670 = vector.extract_strided_slice %min3A_256 {offsets = [896, 0], sizes = [128, 1], strides = [1, 1]} : vector<2048x1xf32> to vector<128x1xf32>
    %slice3A_671 = vector.extract_strided_slice %min3A_263 {offsets = [896, 0], sizes = [128, 1], strides = [1, 1]} : vector<2048x1xf32> to vector<128x1xf32>
    %slice3A_672 = vector.extract_strided_slice %min3A_270 {offsets = [896, 0], sizes = [128, 1], strides = [1, 1]} : vector<2048x1xf32> to vector<128x1xf32>
    %slice3A_673 = vector.extract_strided_slice %mul3A_279 {offsets = [896, 0], sizes = [128, 1], strides = [1, 1]} : vector<2048x1xf32> to vector<128x1xf32>
    %max3A_674 = vector.broadcast %slice3A_669 : vector<128x1xf32> to vector<128x2048xf32>
    %max3A_675 = vector.broadcast %min3A_98 : vector<1x2048xf32> to vector<128x2048xf32>
    %max3A_676 = arith.maximumf %max3A_674, %max3A_675 : vector<128x2048xf32>
    %max3A_677 = vector.broadcast %slice3A_670 : vector<128x1xf32> to vector<128x2048xf32>
    %max3A_678 = vector.broadcast %min3A_105 : vector<1x2048xf32> to vector<128x2048xf32>
    %max3A_679 = arith.maximumf %max3A_677, %max3A_678 : vector<128x2048xf32>
    %min3A_680 = vector.broadcast %slice3A_671 : vector<128x1xf32> to vector<128x2048xf32>
    %min3A_681 = vector.broadcast %min3A_112 : vector<1x2048xf32> to vector<128x2048xf32>
    %min3A_682 = arith.minimumf %min3A_680, %min3A_681 : vector<128x2048xf32>
    %min3A_683 = vector.broadcast %slice3A_672 : vector<128x1xf32> to vector<128x2048xf32>
    %min3A_684 = vector.broadcast %min3A_119 : vector<1x2048xf32> to vector<128x2048xf32>
    %min3A_685 = arith.minimumf %min3A_683, %min3A_684 : vector<128x2048xf32>
    %sub3A_686 = arith.subf %min3A_682, %max3A_676 : vector<128x2048xf32>
    %add3A_687 = arith.constant 1.000000e+00 : f32
    %add3A_688 = vector.broadcast %add3A_687 : f32 to vector<128x2048xf32>
    %add3A_689 = arith.addf %sub3A_686, %add3A_688 : vector<128x2048xf32>
    %max3A_690 = arith.constant 0.000000e+00 : f32
    %max3A_691 = vector.broadcast %max3A_690 : f32 to vector<128x2048xf32>
    %max3A_692 = arith.maximumf %max3A_691, %add3A_689 : vector<128x2048xf32>
    %sub3A_693 = arith.subf %min3A_685, %max3A_679 : vector<128x2048xf32>
    %add3A_694 = arith.constant 1.000000e+00 : f32
    %add3A_695 = vector.broadcast %add3A_694 : f32 to vector<128x2048xf32>
    %add3A_696 = arith.addf %sub3A_693, %add3A_695 : vector<128x2048xf32>
    %max3A_697 = arith.constant 0.000000e+00 : f32
    %max3A_698 = vector.broadcast %max3A_697 : f32 to vector<128x2048xf32>
    %max3A_699 = arith.maximumf %max3A_698, %add3A_696 : vector<128x2048xf32>
    %mul3A_700 = arith.mulf %max3A_692, %max3A_699 : vector<128x2048xf32>
    %add3A_701 = vector.broadcast %slice3A_673 : vector<128x1xf32> to vector<128x2048xf32>
    %add3A_702 = vector.broadcast %mul3A_149 : vector<1x2048xf32> to vector<128x2048xf32>
    %add3A_703 = arith.addf %add3A_701, %add3A_702 : vector<128x2048xf32>
    %sub3A_704 = arith.subf %add3A_703, %mul3A_700 : vector<128x2048xf32>
    %div3A_705 = arith.divf %mul3A_700, %sub3A_704 : vector<128x2048xf32>
    %iota3A_706 = tpu.iota {dimensions = array<i32: 0>} : vector<128x2048xi32>
    %add3A_707 = arith.constant 896 : i32
    %add3A_708 = vector.broadcast %add3A_707 : i32 to vector<128x2048xi32>
    %add3A_709 = arith.addi %iota3A_706, %add3A_708 : vector<128x2048xi32>
    %gt3A_710 = arith.constant 0.699999988 : f32
    %gt3A_711 = vector.broadcast %gt3A_710 : f32 to vector<128x2048xf32>
    %gt3A_712 = arith.cmpf ogt, %div3A_705, %gt3A_711 : vector<128x2048xf32>
    %ne3A_713 = vector.broadcast %iota3A : vector<1x2048xi32> to vector<128x2048xi32>
    %ne3A_714 = arith.cmpi ne, %add3A_709, %ne3A_713 : vector<128x2048xi32>
    %and3A_715 = arith.andi %gt3A_712, %ne3A_714 : vector<128x2048xi1>
    %convert_element_type3A_716 = arith.extui %and3A_715 : vector<128x2048xi1> to vector<128x2048xi32>
    %convert_element_type3A_717 = arith.sitofp %convert_element_type3A_716 : vector<128x2048xi32> to vector<128x2048xf32>
    %swap3A_718 = arith.constant 896 : index
    %swap3A_719 = arith.constant 0 : index
    %swap3A_720 = vector.load %arg9[%swap3A_718, %swap3A_719] : memref<2048x2048xf32, #tpu.memory_space<vmem>>, vector<128x2048xf32>
    tpu.vector_store %arg9[%swap3A_718, %swap3A_719], %convert_element_type3A_717 {strides = array<i32>} : memref<2048x2048xf32, #tpu.memory_space<vmem>>, vector<128x2048xf32>,
    %slice3A_721 = vector.extract_strided_slice %min3A_249 {offsets = [1024, 0], sizes = [128, 1], strides = [1, 1]} : vector<2048x1xf32> to vector<128x1xf32>
    %slice3A_722 = vector.extract_strided_slice %min3A_256 {offsets = [1024, 0], sizes = [128, 1], strides = [1, 1]} : vector<2048x1xf32> to vector<128x1xf32>
    %slice3A_723 = vector.extract_strided_slice %min3A_263 {offsets = [1024, 0], sizes = [128, 1], strides = [1, 1]} : vector<2048x1xf32> to vector<128x1xf32>
    %slice3A_724 = vector.extract_strided_slice %min3A_270 {offsets = [1024, 0], sizes = [128, 1], strides = [1, 1]} : vector<2048x1xf32> to vector<128x1xf32>
    %slice3A_725 = vector.extract_strided_slice %mul3A_279 {offsets = [1024, 0], sizes = [128, 1], strides = [1, 1]} : vector<2048x1xf32> to vector<128x1xf32>
    %max3A_726 = vector.broadcast %slice3A_721 : vector<128x1xf32> to vector<128x2048xf32>
    %max3A_727 = vector.broadcast %min3A_98 : vector<1x2048xf32> to vector<128x2048xf32>
    %max3A_728 = arith.maximumf %max3A_726, %max3A_727 : vector<128x2048xf32>
    %max3A_729 = vector.broadcast %slice3A_722 : vector<128x1xf32> to vector<128x2048xf32>
    %max3A_730 = vector.broadcast %min3A_105 : vector<1x2048xf32> to vector<128x2048xf32>
    %max3A_731 = arith.maximumf %max3A_729, %max3A_730 : vector<128x2048xf32>
    %min3A_732 = vector.broadcast %slice3A_723 : vector<128x1xf32> to vector<128x2048xf32>
    %min3A_733 = vector.broadcast %min3A_112 : vector<1x2048xf32> to vector<128x2048xf32>
    %min3A_734 = arith.minimumf %min3A_732, %min3A_733 : vector<128x2048xf32>
    %min3A_735 = vector.broadcast %slice3A_724 : vector<128x1xf32> to vector<128x2048xf32>
    %min3A_736 = vector.broadcast %min3A_119 : vector<1x2048xf32> to vector<128x2048xf32>
    %min3A_737 = arith.minimumf %min3A_735, %min3A_736 : vector<128x2048xf32>
    %sub3A_738 = arith.subf %min3A_734, %max3A_728 : vector<128x2048xf32>
    %add3A_739 = arith.constant 1.000000e+00 : f32
    %add3A_740 = vector.broadcast %add3A_739 : f32 to vector<128x2048xf32>
    %add3A_741 = arith.addf %sub3A_738, %add3A_740 : vector<128x2048xf32>
    %max3A_742 = arith.constant 0.000000e+00 : f32
    %max3A_743 = vector.broadcast %max3A_742 : f32 to vector<128x2048xf32>
    %max3A_744 = arith.maximumf %max3A_743, %add3A_741 : vector<128x2048xf32>
    %sub3A_745 = arith.subf %min3A_737, %max3A_731 : vector<128x2048xf32>
    %add3A_746 = arith.constant 1.000000e+00 : f32
    %add3A_747 = vector.broadcast %add3A_746 : f32 to vector<128x2048xf32>
    %add3A_748 = arith.addf %sub3A_745, %add3A_747 : vector<128x2048xf32>
    %max3A_749 = arith.constant 0.000000e+00 : f32
    %max3A_750 = vector.broadcast %max3A_749 : f32 to vector<128x2048xf32>
    %max3A_751 = arith.maximumf %max3A_750, %add3A_748 : vector<128x2048xf32>
    %mul3A_752 = arith.mulf %max3A_744, %max3A_751 : vector<128x2048xf32>
    %add3A_753 = vector.broadcast %slice3A_725 : vector<128x1xf32> to vector<128x2048xf32>
    %add3A_754 = vector.broadcast %mul3A_149 : vector<1x2048xf32> to vector<128x2048xf32>
    %add3A_755 = arith.addf %add3A_753, %add3A_754 : vector<128x2048xf32>
    %sub3A_756 = arith.subf %add3A_755, %mul3A_752 : vector<128x2048xf32>
    %div3A_757 = arith.divf %mul3A_752, %sub3A_756 : vector<128x2048xf32>
    %iota3A_758 = tpu.iota {dimensions = array<i32: 0>} : vector<128x2048xi32>
    %add3A_759 = arith.constant 1024 : i32
    %add3A_760 = vector.broadcast %add3A_759 : i32 to vector<128x2048xi32>
    %add3A_761 = arith.addi %iota3A_758, %add3A_760 : vector<128x2048xi32>
    %gt3A_762 = arith.constant 0.699999988 : f32
    %gt3A_763 = vector.broadcast %gt3A_762 : f32 to vector<128x2048xf32>
    %gt3A_764 = arith.cmpf ogt, %div3A_757, %gt3A_763 : vector<128x2048xf32>
    %ne3A_765 = vector.broadcast %iota3A : vector<1x2048xi32> to vector<128x2048xi32>
    %ne3A_766 = arith.cmpi ne, %add3A_761, %ne3A_765 : vector<128x2048xi32>
    %and3A_767 = arith.andi %gt3A_764, %ne3A_766 : vector<128x2048xi1>
    %convert_element_type3A_768 = arith.extui %and3A_767 : vector<128x2048xi1> to vector<128x2048xi32>
    %convert_element_type3A_769 = arith.sitofp %convert_element_type3A_768 : vector<128x2048xi32> to vector<128x2048xf32>
    %swap3A_770 = arith.constant 1024 : index
    %swap3A_771 = arith.constant 0 : index
    %swap3A_772 = vector.load %arg9[%swap3A_770, %swap3A_771] : memref<2048x2048xf32, #tpu.memory_space<vmem>>, vector<128x2048xf32>
    tpu.vector_store %arg9[%swap3A_770, %swap3A_771], %convert_element_type3A_769 {strides = array<i32>} : memref<2048x2048xf32, #tpu.memory_space<vmem>>, vector<128x2048xf32>,
    %slice3A_773 = vector.extract_strided_slice %min3A_249 {offsets = [1152, 0], sizes = [128, 1], strides = [1, 1]} : vector<2048x1xf32> to vector<128x1xf32>
    %slice3A_774 = vector.extract_strided_slice %min3A_256 {offsets = [1152, 0], sizes = [128, 1], strides = [1, 1]} : vector<2048x1xf32> to vector<128x1xf32>
    %slice3A_775 = vector.extract_strided_slice %min3A_263 {offsets = [1152, 0], sizes = [128, 1], strides = [1, 1]} : vector<2048x1xf32> to vector<128x1xf32>
    %slice3A_776 = vector.extract_strided_slice %min3A_270 {offsets = [1152, 0], sizes = [128, 1], strides = [1, 1]} : vector<2048x1xf32> to vector<128x1xf32>
    %slice3A_777 = vector.extract_strided_slice %mul3A_279 {offsets = [1152, 0], sizes = [128, 1], strides = [1, 1]} : vector<2048x1xf32> to vector<128x1xf32>
    %max3A_778 = vector.broadcast %slice3A_773 : vector<128x1xf32> to vector<128x2048xf32>
    %max3A_779 = vector.broadcast %min3A_98 : vector<1x2048xf32> to vector<128x2048xf32>
    %max3A_780 = arith.maximumf %max3A_778, %max3A_779 : vector<128x2048xf32>
    %max3A_781 = vector.broadcast %slice3A_774 : vector<128x1xf32> to vector<128x2048xf32>
    %max3A_782 = vector.broadcast %min3A_105 : vector<1x2048xf32> to vector<128x2048xf32>
    %max3A_783 = arith.maximumf %max3A_781, %max3A_782 : vector<128x2048xf32>
    %min3A_784 = vector.broadcast %slice3A_775 : vector<128x1xf32> to vector<128x2048xf32>
    %min3A_785 = vector.broadcast %min3A_112 : vector<1x2048xf32> to vector<128x2048xf32>
    %min3A_786 = arith.minimumf %min3A_784, %min3A_785 : vector<128x2048xf32>
    %min3A_787 = vector.broadcast %slice3A_776 : vector<128x1xf32> to vector<128x2048xf32>
    %min3A_788 = vector.broadcast %min3A_119 : vector<1x2048xf32> to vector<128x2048xf32>
    %min3A_789 = arith.minimumf %min3A_787, %min3A_788 : vector<128x2048xf32>
    %sub3A_790 = arith.subf %min3A_786, %max3A_780 : vector<128x2048xf32>
    %add3A_791 = arith.constant 1.000000e+00 : f32
    %add3A_792 = vector.broadcast %add3A_791 : f32 to vector<128x2048xf32>
    %add3A_793 = arith.addf %sub3A_790, %add3A_792 : vector<128x2048xf32>
    %max3A_794 = arith.constant 0.000000e+00 : f32
    %max3A_795 = vector.broadcast %max3A_794 : f32 to vector<128x2048xf32>
    %max3A_796 = arith.maximumf %max3A_795, %add3A_793 : vector<128x2048xf32>
    %sub3A_797 = arith.subf %min3A_789, %max3A_783 : vector<128x2048xf32>
    %add3A_798 = arith.constant 1.000000e+00 : f32
    %add3A_799 = vector.broadcast %add3A_798 : f32 to vector<128x2048xf32>
    %add3A_800 = arith.addf %sub3A_797, %add3A_799 : vector<128x2048xf32>
    %max3A_801 = arith.constant 0.000000e+00 : f32
    %max3A_802 = vector.broadcast %max3A_801 : f32 to vector<128x2048xf32>
    %max3A_803 = arith.maximumf %max3A_802, %add3A_800 : vector<128x2048xf32>
    %mul3A_804 = arith.mulf %max3A_796, %max3A_803 : vector<128x2048xf32>
    %add3A_805 = vector.broadcast %slice3A_777 : vector<128x1xf32> to vector<128x2048xf32>
    %add3A_806 = vector.broadcast %mul3A_149 : vector<1x2048xf32> to vector<128x2048xf32>
    %add3A_807 = arith.addf %add3A_805, %add3A_806 : vector<128x2048xf32>
    %sub3A_808 = arith.subf %add3A_807, %mul3A_804 : vector<128x2048xf32>
    %div3A_809 = arith.divf %mul3A_804, %sub3A_808 : vector<128x2048xf32>
    %iota3A_810 = tpu.iota {dimensions = array<i32: 0>} : vector<128x2048xi32>
    %add3A_811 = arith.constant 1152 : i32
    %add3A_812 = vector.broadcast %add3A_811 : i32 to vector<128x2048xi32>
    %add3A_813 = arith.addi %iota3A_810, %add3A_812 : vector<128x2048xi32>
    %gt3A_814 = arith.constant 0.699999988 : f32
    %gt3A_815 = vector.broadcast %gt3A_814 : f32 to vector<128x2048xf32>
    %gt3A_816 = arith.cmpf ogt, %div3A_809, %gt3A_815 : vector<128x2048xf32>
    %ne3A_817 = vector.broadcast %iota3A : vector<1x2048xi32> to vector<128x2048xi32>
    %ne3A_818 = arith.cmpi ne, %add3A_813, %ne3A_817 : vector<128x2048xi32>
    %and3A_819 = arith.andi %gt3A_816, %ne3A_818 : vector<128x2048xi1>
    %convert_element_type3A_820 = arith.extui %and3A_819 : vector<128x2048xi1> to vector<128x2048xi32>
    %convert_element_type3A_821 = arith.sitofp %convert_element_type3A_820 : vector<128x2048xi32> to vector<128x2048xf32>
    %swap3A_822 = arith.constant 1152 : index
    %swap3A_823 = arith.constant 0 : index
    %swap3A_824 = vector.load %arg9[%swap3A_822, %swap3A_823] : memref<2048x2048xf32, #tpu.memory_space<vmem>>, vector<128x2048xf32>
    tpu.vector_store %arg9[%swap3A_822, %swap3A_823], %convert_element_type3A_821 {strides = array<i32>} : memref<2048x2048xf32, #tpu.memory_space<vmem>>, vector<128x2048xf32>,
    %slice3A_825 = vector.extract_strided_slice %min3A_249 {offsets = [1280, 0], sizes = [128, 1], strides = [1, 1]} : vector<2048x1xf32> to vector<128x1xf32>
    %slice3A_826 = vector.extract_strided_slice %min3A_256 {offsets = [1280, 0], sizes = [128, 1], strides = [1, 1]} : vector<2048x1xf32> to vector<128x1xf32>
    %slice3A_827 = vector.extract_strided_slice %min3A_263 {offsets = [1280, 0], sizes = [128, 1], strides = [1, 1]} : vector<2048x1xf32> to vector<128x1xf32>
    %slice3A_828 = vector.extract_strided_slice %min3A_270 {offsets = [1280, 0], sizes = [128, 1], strides = [1, 1]} : vector<2048x1xf32> to vector<128x1xf32>
    %slice3A_829 = vector.extract_strided_slice %mul3A_279 {offsets = [1280, 0], sizes = [128, 1], strides = [1, 1]} : vector<2048x1xf32> to vector<128x1xf32>
    %max3A_830 = vector.broadcast %slice3A_825 : vector<128x1xf32> to vector<128x2048xf32>
    %max3A_831 = vector.broadcast %min3A_98 : vector<1x2048xf32> to vector<128x2048xf32>
    %max3A_832 = arith.maximumf %max3A_830, %max3A_831 : vector<128x2048xf32>
    %max3A_833 = vector.broadcast %slice3A_826 : vector<128x1xf32> to vector<128x2048xf32>
    %max3A_834 = vector.broadcast %min3A_105 : vector<1x2048xf32> to vector<128x2048xf32>
    %max3A_835 = arith.maximumf %max3A_833, %max3A_834 : vector<128x2048xf32>
    %min3A_836 = vector.broadcast %slice3A_827 : vector<128x1xf32> to vector<128x2048xf32>
    %min3A_837 = vector.broadcast %min3A_112 : vector<1x2048xf32> to vector<128x2048xf32>
    %min3A_838 = arith.minimumf %min3A_836, %min3A_837 : vector<128x2048xf32>
    %min3A_839 = vector.broadcast %slice3A_828 : vector<128x1xf32> to vector<128x2048xf32>
    %min3A_840 = vector.broadcast %min3A_119 : vector<1x2048xf32> to vector<128x2048xf32>
    %min3A_841 = arith.minimumf %min3A_839, %min3A_840 : vector<128x2048xf32>
    %sub3A_842 = arith.subf %min3A_838, %max3A_832 : vector<128x2048xf32>
    %add3A_843 = arith.constant 1.000000e+00 : f32
    %add3A_844 = vector.broadcast %add3A_843 : f32 to vector<128x2048xf32>
    %add3A_845 = arith.addf %sub3A_842, %add3A_844 : vector<128x2048xf32>
    %max3A_846 = arith.constant 0.000000e+00 : f32
    %max3A_847 = vector.broadcast %max3A_846 : f32 to vector<128x2048xf32>
    %max3A_848 = arith.maximumf %max3A_847, %add3A_845 : vector<128x2048xf32>
    %sub3A_849 = arith.subf %min3A_841, %max3A_835 : vector<128x2048xf32>
    %add3A_850 = arith.constant 1.000000e+00 : f32
    %add3A_851 = vector.broadcast %add3A_850 : f32 to vector<128x2048xf32>
    %add3A_852 = arith.addf %sub3A_849, %add3A_851 : vector<128x2048xf32>
    %max3A_853 = arith.constant 0.000000e+00 : f32
    %max3A_854 = vector.broadcast %max3A_853 : f32 to vector<128x2048xf32>
    %max3A_855 = arith.maximumf %max3A_854, %add3A_852 : vector<128x2048xf32>
    %mul3A_856 = arith.mulf %max3A_848, %max3A_855 : vector<128x2048xf32>
    %add3A_857 = vector.broadcast %slice3A_829 : vector<128x1xf32> to vector<128x2048xf32>
    %add3A_858 = vector.broadcast %mul3A_149 : vector<1x2048xf32> to vector<128x2048xf32>
    %add3A_859 = arith.addf %add3A_857, %add3A_858 : vector<128x2048xf32>
    %sub3A_860 = arith.subf %add3A_859, %mul3A_856 : vector<128x2048xf32>
    %div3A_861 = arith.divf %mul3A_856, %sub3A_860 : vector<128x2048xf32>
    %iota3A_862 = tpu.iota {dimensions = array<i32: 0>} : vector<128x2048xi32>
    %add3A_863 = arith.constant 1280 : i32
    %add3A_864 = vector.broadcast %add3A_863 : i32 to vector<128x2048xi32>
    %add3A_865 = arith.addi %iota3A_862, %add3A_864 : vector<128x2048xi32>
    %gt3A_866 = arith.constant 0.699999988 : f32
    %gt3A_867 = vector.broadcast %gt3A_866 : f32 to vector<128x2048xf32>
    %gt3A_868 = arith.cmpf ogt, %div3A_861, %gt3A_867 : vector<128x2048xf32>
    %ne3A_869 = vector.broadcast %iota3A : vector<1x2048xi32> to vector<128x2048xi32>
    %ne3A_870 = arith.cmpi ne, %add3A_865, %ne3A_869 : vector<128x2048xi32>
    %and3A_871 = arith.andi %gt3A_868, %ne3A_870 : vector<128x2048xi1>
    %convert_element_type3A_872 = arith.extui %and3A_871 : vector<128x2048xi1> to vector<128x2048xi32>
    %convert_element_type3A_873 = arith.sitofp %convert_element_type3A_872 : vector<128x2048xi32> to vector<128x2048xf32>
    %swap3A_874 = arith.constant 1280 : index
    %swap3A_875 = arith.constant 0 : index
    %swap3A_876 = vector.load %arg9[%swap3A_874, %swap3A_875] : memref<2048x2048xf32, #tpu.memory_space<vmem>>, vector<128x2048xf32>
    tpu.vector_store %arg9[%swap3A_874, %swap3A_875], %convert_element_type3A_873 {strides = array<i32>} : memref<2048x2048xf32, #tpu.memory_space<vmem>>, vector<128x2048xf32>,
    %slice3A_877 = vector.extract_strided_slice %min3A_249 {offsets = [1408, 0], sizes = [128, 1], strides = [1, 1]} : vector<2048x1xf32> to vector<128x1xf32>
    %slice3A_878 = vector.extract_strided_slice %min3A_256 {offsets = [1408, 0], sizes = [128, 1], strides = [1, 1]} : vector<2048x1xf32> to vector<128x1xf32>
    %slice3A_879 = vector.extract_strided_slice %min3A_263 {offsets = [1408, 0], sizes = [128, 1], strides = [1, 1]} : vector<2048x1xf32> to vector<128x1xf32>
    %slice3A_880 = vector.extract_strided_slice %min3A_270 {offsets = [1408, 0], sizes = [128, 1], strides = [1, 1]} : vector<2048x1xf32> to vector<128x1xf32>
    %slice3A_881 = vector.extract_strided_slice %mul3A_279 {offsets = [1408, 0], sizes = [128, 1], strides = [1, 1]} : vector<2048x1xf32> to vector<128x1xf32>
    %max3A_882 = vector.broadcast %slice3A_877 : vector<128x1xf32> to vector<128x2048xf32>
    %max3A_883 = vector.broadcast %min3A_98 : vector<1x2048xf32> to vector<128x2048xf32>
    %max3A_884 = arith.maximumf %max3A_882, %max3A_883 : vector<128x2048xf32>
    %max3A_885 = vector.broadcast %slice3A_878 : vector<128x1xf32> to vector<128x2048xf32>
    %max3A_886 = vector.broadcast %min3A_105 : vector<1x2048xf32> to vector<128x2048xf32>
    %max3A_887 = arith.maximumf %max3A_885, %max3A_886 : vector<128x2048xf32>
    %min3A_888 = vector.broadcast %slice3A_879 : vector<128x1xf32> to vector<128x2048xf32>
    %min3A_889 = vector.broadcast %min3A_112 : vector<1x2048xf32> to vector<128x2048xf32>
    %min3A_890 = arith.minimumf %min3A_888, %min3A_889 : vector<128x2048xf32>
    %min3A_891 = vector.broadcast %slice3A_880 : vector<128x1xf32> to vector<128x2048xf32>
    %min3A_892 = vector.broadcast %min3A_119 : vector<1x2048xf32> to vector<128x2048xf32>
    %min3A_893 = arith.minimumf %min3A_891, %min3A_892 : vector<128x2048xf32>
    %sub3A_894 = arith.subf %min3A_890, %max3A_884 : vector<128x2048xf32>
    %add3A_895 = arith.constant 1.000000e+00 : f32
    %add3A_896 = vector.broadcast %add3A_895 : f32 to vector<128x2048xf32>
    %add3A_897 = arith.addf %sub3A_894, %add3A_896 : vector<128x2048xf32>
    %max3A_898 = arith.constant 0.000000e+00 : f32
    %max3A_899 = vector.broadcast %max3A_898 : f32 to vector<128x2048xf32>
    %max3A_900 = arith.maximumf %max3A_899, %add3A_897 : vector<128x2048xf32>
    %sub3A_901 = arith.subf %min3A_893, %max3A_887 : vector<128x2048xf32>
    %add3A_902 = arith.constant 1.000000e+00 : f32
    %add3A_903 = vector.broadcast %add3A_902 : f32 to vector<128x2048xf32>
    %add3A_904 = arith.addf %sub3A_901, %add3A_903 : vector<128x2048xf32>
    %max3A_905 = arith.constant 0.000000e+00 : f32
    %max3A_906 = vector.broadcast %max3A_905 : f32 to vector<128x2048xf32>
    %max3A_907 = arith.maximumf %max3A_906, %add3A_904 : vector<128x2048xf32>
    %mul3A_908 = arith.mulf %max3A_900, %max3A_907 : vector<128x2048xf32>
    %add3A_909 = vector.broadcast %slice3A_881 : vector<128x1xf32> to vector<128x2048xf32>
    %add3A_910 = vector.broadcast %mul3A_149 : vector<1x2048xf32> to vector<128x2048xf32>
    %add3A_911 = arith.addf %add3A_909, %add3A_910 : vector<128x2048xf32>
    %sub3A_912 = arith.subf %add3A_911, %mul3A_908 : vector<128x2048xf32>
    %div3A_913 = arith.divf %mul3A_908, %sub3A_912 : vector<128x2048xf32>
    %iota3A_914 = tpu.iota {dimensions = array<i32: 0>} : vector<128x2048xi32>
    %add3A_915 = arith.constant 1408 : i32
    %add3A_916 = vector.broadcast %add3A_915 : i32 to vector<128x2048xi32>
    %add3A_917 = arith.addi %iota3A_914, %add3A_916 : vector<128x2048xi32>
    %gt3A_918 = arith.constant 0.699999988 : f32
    %gt3A_919 = vector.broadcast %gt3A_918 : f32 to vector<128x2048xf32>
    %gt3A_920 = arith.cmpf ogt, %div3A_913, %gt3A_919 : vector<128x2048xf32>
    %ne3A_921 = vector.broadcast %iota3A : vector<1x2048xi32> to vector<128x2048xi32>
    %ne3A_922 = arith.cmpi ne, %add3A_917, %ne3A_921 : vector<128x2048xi32>
    %and3A_923 = arith.andi %gt3A_920, %ne3A_922 : vector<128x2048xi1>
    %convert_element_type3A_924 = arith.extui %and3A_923 : vector<128x2048xi1> to vector<128x2048xi32>
    %convert_element_type3A_925 = arith.sitofp %convert_element_type3A_924 : vector<128x2048xi32> to vector<128x2048xf32>
    %swap3A_926 = arith.constant 1408 : index
    %swap3A_927 = arith.constant 0 : index
    %swap3A_928 = vector.load %arg9[%swap3A_926, %swap3A_927] : memref<2048x2048xf32, #tpu.memory_space<vmem>>, vector<128x2048xf32>
    tpu.vector_store %arg9[%swap3A_926, %swap3A_927], %convert_element_type3A_925 {strides = array<i32>} : memref<2048x2048xf32, #tpu.memory_space<vmem>>, vector<128x2048xf32>,
    %slice3A_929 = vector.extract_strided_slice %min3A_249 {offsets = [1536, 0], sizes = [128, 1], strides = [1, 1]} : vector<2048x1xf32> to vector<128x1xf32>
    %slice3A_930 = vector.extract_strided_slice %min3A_256 {offsets = [1536, 0], sizes = [128, 1], strides = [1, 1]} : vector<2048x1xf32> to vector<128x1xf32>
    %slice3A_931 = vector.extract_strided_slice %min3A_263 {offsets = [1536, 0], sizes = [128, 1], strides = [1, 1]} : vector<2048x1xf32> to vector<128x1xf32>
    %slice3A_932 = vector.extract_strided_slice %min3A_270 {offsets = [1536, 0], sizes = [128, 1], strides = [1, 1]} : vector<2048x1xf32> to vector<128x1xf32>
    %slice3A_933 = vector.extract_strided_slice %mul3A_279 {offsets = [1536, 0], sizes = [128, 1], strides = [1, 1]} : vector<2048x1xf32> to vector<128x1xf32>
    %max3A_934 = vector.broadcast %slice3A_929 : vector<128x1xf32> to vector<128x2048xf32>
    %max3A_935 = vector.broadcast %min3A_98 : vector<1x2048xf32> to vector<128x2048xf32>
    %max3A_936 = arith.maximumf %max3A_934, %max3A_935 : vector<128x2048xf32>
    %max3A_937 = vector.broadcast %slice3A_930 : vector<128x1xf32> to vector<128x2048xf32>
    %max3A_938 = vector.broadcast %min3A_105 : vector<1x2048xf32> to vector<128x2048xf32>
    %max3A_939 = arith.maximumf %max3A_937, %max3A_938 : vector<128x2048xf32>
    %min3A_940 = vector.broadcast %slice3A_931 : vector<128x1xf32> to vector<128x2048xf32>
    %min3A_941 = vector.broadcast %min3A_112 : vector<1x2048xf32> to vector<128x2048xf32>
    %min3A_942 = arith.minimumf %min3A_940, %min3A_941 : vector<128x2048xf32>
    %min3A_943 = vector.broadcast %slice3A_932 : vector<128x1xf32> to vector<128x2048xf32>
    %min3A_944 = vector.broadcast %min3A_119 : vector<1x2048xf32> to vector<128x2048xf32>
    %min3A_945 = arith.minimumf %min3A_943, %min3A_944 : vector<128x2048xf32>
    %sub3A_946 = arith.subf %min3A_942, %max3A_936 : vector<128x2048xf32>
    %add3A_947 = arith.constant 1.000000e+00 : f32
    %add3A_948 = vector.broadcast %add3A_947 : f32 to vector<128x2048xf32>
    %add3A_949 = arith.addf %sub3A_946, %add3A_948 : vector<128x2048xf32>
    %max3A_950 = arith.constant 0.000000e+00 : f32
    %max3A_951 = vector.broadcast %max3A_950 : f32 to vector<128x2048xf32>
    %max3A_952 = arith.maximumf %max3A_951, %add3A_949 : vector<128x2048xf32>
    %sub3A_953 = arith.subf %min3A_945, %max3A_939 : vector<128x2048xf32>
    %add3A_954 = arith.constant 1.000000e+00 : f32
    %add3A_955 = vector.broadcast %add3A_954 : f32 to vector<128x2048xf32>
    %add3A_956 = arith.addf %sub3A_953, %add3A_955 : vector<128x2048xf32>
    %max3A_957 = arith.constant 0.000000e+00 : f32
    %max3A_958 = vector.broadcast %max3A_957 : f32 to vector<128x2048xf32>
    %max3A_959 = arith.maximumf %max3A_958, %add3A_956 : vector<128x2048xf32>
    %mul3A_960 = arith.mulf %max3A_952, %max3A_959 : vector<128x2048xf32>
    %add3A_961 = vector.broadcast %slice3A_933 : vector<128x1xf32> to vector<128x2048xf32>
    %add3A_962 = vector.broadcast %mul3A_149 : vector<1x2048xf32> to vector<128x2048xf32>
    %add3A_963 = arith.addf %add3A_961, %add3A_962 : vector<128x2048xf32>
    %sub3A_964 = arith.subf %add3A_963, %mul3A_960 : vector<128x2048xf32>
    %div3A_965 = arith.divf %mul3A_960, %sub3A_964 : vector<128x2048xf32>
    %iota3A_966 = tpu.iota {dimensions = array<i32: 0>} : vector<128x2048xi32>
    %add3A_967 = arith.constant 1536 : i32
    %add3A_968 = vector.broadcast %add3A_967 : i32 to vector<128x2048xi32>
    %add3A_969 = arith.addi %iota3A_966, %add3A_968 : vector<128x2048xi32>
    %gt3A_970 = arith.constant 0.699999988 : f32
    %gt3A_971 = vector.broadcast %gt3A_970 : f32 to vector<128x2048xf32>
    %gt3A_972 = arith.cmpf ogt, %div3A_965, %gt3A_971 : vector<128x2048xf32>
    %ne3A_973 = vector.broadcast %iota3A : vector<1x2048xi32> to vector<128x2048xi32>
    %ne3A_974 = arith.cmpi ne, %add3A_969, %ne3A_973 : vector<128x2048xi32>
    %and3A_975 = arith.andi %gt3A_972, %ne3A_974 : vector<128x2048xi1>
    %convert_element_type3A_976 = arith.extui %and3A_975 : vector<128x2048xi1> to vector<128x2048xi32>
    %convert_element_type3A_977 = arith.sitofp %convert_element_type3A_976 : vector<128x2048xi32> to vector<128x2048xf32>
    %swap3A_978 = arith.constant 1536 : index
    %swap3A_979 = arith.constant 0 : index
    %swap3A_980 = vector.load %arg9[%swap3A_978, %swap3A_979] : memref<2048x2048xf32, #tpu.memory_space<vmem>>, vector<128x2048xf32>
    tpu.vector_store %arg9[%swap3A_978, %swap3A_979], %convert_element_type3A_977 {strides = array<i32>} : memref<2048x2048xf32, #tpu.memory_space<vmem>>, vector<128x2048xf32>,
    %slice3A_981 = vector.extract_strided_slice %min3A_249 {offsets = [1664, 0], sizes = [128, 1], strides = [1, 1]} : vector<2048x1xf32> to vector<128x1xf32>
    %slice3A_982 = vector.extract_strided_slice %min3A_256 {offsets = [1664, 0], sizes = [128, 1], strides = [1, 1]} : vector<2048x1xf32> to vector<128x1xf32>
    %slice3A_983 = vector.extract_strided_slice %min3A_263 {offsets = [1664, 0], sizes = [128, 1], strides = [1, 1]} : vector<2048x1xf32> to vector<128x1xf32>
    %slice3A_984 = vector.extract_strided_slice %min3A_270 {offsets = [1664, 0], sizes = [128, 1], strides = [1, 1]} : vector<2048x1xf32> to vector<128x1xf32>
    %slice3A_985 = vector.extract_strided_slice %mul3A_279 {offsets = [1664, 0], sizes = [128, 1], strides = [1, 1]} : vector<2048x1xf32> to vector<128x1xf32>
    %max3A_986 = vector.broadcast %slice3A_981 : vector<128x1xf32> to vector<128x2048xf32>
    %max3A_987 = vector.broadcast %min3A_98 : vector<1x2048xf32> to vector<128x2048xf32>
    %max3A_988 = arith.maximumf %max3A_986, %max3A_987 : vector<128x2048xf32>
    %max3A_989 = vector.broadcast %slice3A_982 : vector<128x1xf32> to vector<128x2048xf32>
    %max3A_990 = vector.broadcast %min3A_105 : vector<1x2048xf32> to vector<128x2048xf32>
    %max3A_991 = arith.maximumf %max3A_989, %max3A_990 : vector<128x2048xf32>
    %min3A_992 = vector.broadcast %slice3A_983 : vector<128x1xf32> to vector<128x2048xf32>
    %min3A_993 = vector.broadcast %min3A_112 : vector<1x2048xf32> to vector<128x2048xf32>
    %min3A_994 = arith.minimumf %min3A_992, %min3A_993 : vector<128x2048xf32>
    %min3A_995 = vector.broadcast %slice3A_984 : vector<128x1xf32> to vector<128x2048xf32>
    %min3A_996 = vector.broadcast %min3A_119 : vector<1x2048xf32> to vector<128x2048xf32>
    %min3A_997 = arith.minimumf %min3A_995, %min3A_996 : vector<128x2048xf32>
    %sub3A_998 = arith.subf %min3A_994, %max3A_988 : vector<128x2048xf32>
    %add3A_999 = arith.constant 1.000000e+00 : f32
    %add3A_1000 = vector.broadcast %add3A_999 : f32 to vector<128x2048xf32>
    %add3A_1001 = arith.addf %sub3A_998, %add3A_1000 : vector<128x2048xf32>
    %max3A_1002 = arith.constant 0.000000e+00 : f32
    %max3A_1003 = vector.broadcast %max3A_1002 : f32 to vector<128x2048xf32>
    %max3A_1004 = arith.maximumf %max3A_1003, %add3A_1001 : vector<128x2048xf32>
    %sub3A_1005 = arith.subf %min3A_997, %max3A_991 : vector<128x2048xf32>
    %add3A_1006 = arith.constant 1.000000e+00 : f32
    %add3A_1007 = vector.broadcast %add3A_1006 : f32 to vector<128x2048xf32>
    %add3A_1008 = arith.addf %sub3A_1005, %add3A_1007 : vector<128x2048xf32>
    %max3A_1009 = arith.constant 0.000000e+00 : f32
    %max3A_1010 = vector.broadcast %max3A_1009 : f32 to vector<128x2048xf32>
    %max3A_1011 = arith.maximumf %max3A_1010, %add3A_1008 : vector<128x2048xf32>
    %mul3A_1012 = arith.mulf %max3A_1004, %max3A_1011 : vector<128x2048xf32>
    %add3A_1013 = vector.broadcast %slice3A_985 : vector<128x1xf32> to vector<128x2048xf32>
    %add3A_1014 = vector.broadcast %mul3A_149 : vector<1x2048xf32> to vector<128x2048xf32>
    %add3A_1015 = arith.addf %add3A_1013, %add3A_1014 : vector<128x2048xf32>
    %sub3A_1016 = arith.subf %add3A_1015, %mul3A_1012 : vector<128x2048xf32>
    %div3A_1017 = arith.divf %mul3A_1012, %sub3A_1016 : vector<128x2048xf32>
    %iota3A_1018 = tpu.iota {dimensions = array<i32: 0>} : vector<128x2048xi32>
    %add3A_1019 = arith.constant 1664 : i32
    %add3A_1020 = vector.broadcast %add3A_1019 : i32 to vector<128x2048xi32>
    %add3A_1021 = arith.addi %iota3A_1018, %add3A_1020 : vector<128x2048xi32>
    %gt3A_1022 = arith.constant 0.699999988 : f32
    %gt3A_1023 = vector.broadcast %gt3A_1022 : f32 to vector<128x2048xf32>
    %gt3A_1024 = arith.cmpf ogt, %div3A_1017, %gt3A_1023 : vector<128x2048xf32>
    %ne3A_1025 = vector.broadcast %iota3A : vector<1x2048xi32> to vector<128x2048xi32>
    %ne3A_1026 = arith.cmpi ne, %add3A_1021, %ne3A_1025 : vector<128x2048xi32>
    %and3A_1027 = arith.andi %gt3A_1024, %ne3A_1026 : vector<128x2048xi1>
    %convert_element_type3A_1028 = arith.extui %and3A_1027 : vector<128x2048xi1> to vector<128x2048xi32>
    %convert_element_type3A_1029 = arith.sitofp %convert_element_type3A_1028 : vector<128x2048xi32> to vector<128x2048xf32>
    %swap3A_1030 = arith.constant 1664 : index
    %swap3A_1031 = arith.constant 0 : index
    %swap3A_1032 = vector.load %arg9[%swap3A_1030, %swap3A_1031] : memref<2048x2048xf32, #tpu.memory_space<vmem>>, vector<128x2048xf32>
    tpu.vector_store %arg9[%swap3A_1030, %swap3A_1031], %convert_element_type3A_1029 {strides = array<i32>} : memref<2048x2048xf32, #tpu.memory_space<vmem>>, vector<128x2048xf32>,
    %slice3A_1033 = vector.extract_strided_slice %min3A_249 {offsets = [1792, 0], sizes = [128, 1], strides = [1, 1]} : vector<2048x1xf32> to vector<128x1xf32>
    %slice3A_1034 = vector.extract_strided_slice %min3A_256 {offsets = [1792, 0], sizes = [128, 1], strides = [1, 1]} : vector<2048x1xf32> to vector<128x1xf32>
    %slice3A_1035 = vector.extract_strided_slice %min3A_263 {offsets = [1792, 0], sizes = [128, 1], strides = [1, 1]} : vector<2048x1xf32> to vector<128x1xf32>
    %slice3A_1036 = vector.extract_strided_slice %min3A_270 {offsets = [1792, 0], sizes = [128, 1], strides = [1, 1]} : vector<2048x1xf32> to vector<128x1xf32>
    %slice3A_1037 = vector.extract_strided_slice %mul3A_279 {offsets = [1792, 0], sizes = [128, 1], strides = [1, 1]} : vector<2048x1xf32> to vector<128x1xf32>
    %max3A_1038 = vector.broadcast %slice3A_1033 : vector<128x1xf32> to vector<128x2048xf32>
    %max3A_1039 = vector.broadcast %min3A_98 : vector<1x2048xf32> to vector<128x2048xf32>
    %max3A_1040 = arith.maximumf %max3A_1038, %max3A_1039 : vector<128x2048xf32>
    %max3A_1041 = vector.broadcast %slice3A_1034 : vector<128x1xf32> to vector<128x2048xf32>
    %max3A_1042 = vector.broadcast %min3A_105 : vector<1x2048xf32> to vector<128x2048xf32>
    %max3A_1043 = arith.maximumf %max3A_1041, %max3A_1042 : vector<128x2048xf32>
    %min3A_1044 = vector.broadcast %slice3A_1035 : vector<128x1xf32> to vector<128x2048xf32>
    %min3A_1045 = vector.broadcast %min3A_112 : vector<1x2048xf32> to vector<128x2048xf32>
    %min3A_1046 = arith.minimumf %min3A_1044, %min3A_1045 : vector<128x2048xf32>
    %min3A_1047 = vector.broadcast %slice3A_1036 : vector<128x1xf32> to vector<128x2048xf32>
    %min3A_1048 = vector.broadcast %min3A_119 : vector<1x2048xf32> to vector<128x2048xf32>
    %min3A_1049 = arith.minimumf %min3A_1047, %min3A_1048 : vector<128x2048xf32>
    %sub3A_1050 = arith.subf %min3A_1046, %max3A_1040 : vector<128x2048xf32>
    %add3A_1051 = arith.constant 1.000000e+00 : f32
    %add3A_1052 = vector.broadcast %add3A_1051 : f32 to vector<128x2048xf32>
    %add3A_1053 = arith.addf %sub3A_1050, %add3A_1052 : vector<128x2048xf32>
    %max3A_1054 = arith.constant 0.000000e+00 : f32
    %max3A_1055 = vector.broadcast %max3A_1054 : f32 to vector<128x2048xf32>
    %max3A_1056 = arith.maximumf %max3A_1055, %add3A_1053 : vector<128x2048xf32>
    %sub3A_1057 = arith.subf %min3A_1049, %max3A_1043 : vector<128x2048xf32>
    %add3A_1058 = arith.constant 1.000000e+00 : f32
    %add3A_1059 = vector.broadcast %add3A_1058 : f32 to vector<128x2048xf32>
    %add3A_1060 = arith.addf %sub3A_1057, %add3A_1059 : vector<128x2048xf32>
    %max3A_1061 = arith.constant 0.000000e+00 : f32
    %max3A_1062 = vector.broadcast %max3A_1061 : f32 to vector<128x2048xf32>
    %max3A_1063 = arith.maximumf %max3A_1062, %add3A_1060 : vector<128x2048xf32>
    %mul3A_1064 = arith.mulf %max3A_1056, %max3A_1063 : vector<128x2048xf32>
    %add3A_1065 = vector.broadcast %slice3A_1037 : vector<128x1xf32> to vector<128x2048xf32>
    %add3A_1066 = vector.broadcast %mul3A_149 : vector<1x2048xf32> to vector<128x2048xf32>
    %add3A_1067 = arith.addf %add3A_1065, %add3A_1066 : vector<128x2048xf32>
    %sub3A_1068 = arith.subf %add3A_1067, %mul3A_1064 : vector<128x2048xf32>
    %div3A_1069 = arith.divf %mul3A_1064, %sub3A_1068 : vector<128x2048xf32>
    %iota3A_1070 = tpu.iota {dimensions = array<i32: 0>} : vector<128x2048xi32>
    %add3A_1071 = arith.constant 1792 : i32
    %add3A_1072 = vector.broadcast %add3A_1071 : i32 to vector<128x2048xi32>
    %add3A_1073 = arith.addi %iota3A_1070, %add3A_1072 : vector<128x2048xi32>
    %gt3A_1074 = arith.constant 0.699999988 : f32
    %gt3A_1075 = vector.broadcast %gt3A_1074 : f32 to vector<128x2048xf32>
    %gt3A_1076 = arith.cmpf ogt, %div3A_1069, %gt3A_1075 : vector<128x2048xf32>
    %ne3A_1077 = vector.broadcast %iota3A : vector<1x2048xi32> to vector<128x2048xi32>
    %ne3A_1078 = arith.cmpi ne, %add3A_1073, %ne3A_1077 : vector<128x2048xi32>
    %and3A_1079 = arith.andi %gt3A_1076, %ne3A_1078 : vector<128x2048xi1>
    %convert_element_type3A_1080 = arith.extui %and3A_1079 : vector<128x2048xi1> to vector<128x2048xi32>
    %convert_element_type3A_1081 = arith.sitofp %convert_element_type3A_1080 : vector<128x2048xi32> to vector<128x2048xf32>
    %swap3A_1082 = arith.constant 1792 : index
    %swap3A_1083 = arith.constant 0 : index
    %swap3A_1084 = vector.load %arg9[%swap3A_1082, %swap3A_1083] : memref<2048x2048xf32, #tpu.memory_space<vmem>>, vector<128x2048xf32>
    tpu.vector_store %arg9[%swap3A_1082, %swap3A_1083], %convert_element_type3A_1081 {strides = array<i32>} : memref<2048x2048xf32, #tpu.memory_space<vmem>>, vector<128x2048xf32>,
    %slice3A_1085 = vector.extract_strided_slice %min3A_249 {offsets = [1920, 0], sizes = [128, 1], strides = [1, 1]} : vector<2048x1xf32> to vector<128x1xf32>
    %slice3A_1086 = vector.extract_strided_slice %min3A_256 {offsets = [1920, 0], sizes = [128, 1], strides = [1, 1]} : vector<2048x1xf32> to vector<128x1xf32>
    %slice3A_1087 = vector.extract_strided_slice %min3A_263 {offsets = [1920, 0], sizes = [128, 1], strides = [1, 1]} : vector<2048x1xf32> to vector<128x1xf32>
    %slice3A_1088 = vector.extract_strided_slice %min3A_270 {offsets = [1920, 0], sizes = [128, 1], strides = [1, 1]} : vector<2048x1xf32> to vector<128x1xf32>
    %slice3A_1089 = vector.extract_strided_slice %mul3A_279 {offsets = [1920, 0], sizes = [128, 1], strides = [1, 1]} : vector<2048x1xf32> to vector<128x1xf32>
    %max3A_1090 = vector.broadcast %slice3A_1085 : vector<128x1xf32> to vector<128x2048xf32>
    %max3A_1091 = vector.broadcast %min3A_98 : vector<1x2048xf32> to vector<128x2048xf32>
    %max3A_1092 = arith.maximumf %max3A_1090, %max3A_1091 : vector<128x2048xf32>
    %max3A_1093 = vector.broadcast %slice3A_1086 : vector<128x1xf32> to vector<128x2048xf32>
    %max3A_1094 = vector.broadcast %min3A_105 : vector<1x2048xf32> to vector<128x2048xf32>
    %max3A_1095 = arith.maximumf %max3A_1093, %max3A_1094 : vector<128x2048xf32>
    %min3A_1096 = vector.broadcast %slice3A_1087 : vector<128x1xf32> to vector<128x2048xf32>
    %min3A_1097 = vector.broadcast %min3A_112 : vector<1x2048xf32> to vector<128x2048xf32>
    %min3A_1098 = arith.minimumf %min3A_1096, %min3A_1097 : vector<128x2048xf32>
    %min3A_1099 = vector.broadcast %slice3A_1088 : vector<128x1xf32> to vector<128x2048xf32>
    %min3A_1100 = vector.broadcast %min3A_119 : vector<1x2048xf32> to vector<128x2048xf32>
    %min3A_1101 = arith.minimumf %min3A_1099, %min3A_1100 : vector<128x2048xf32>
    %sub3A_1102 = arith.subf %min3A_1098, %max3A_1092 : vector<128x2048xf32>
    %add3A_1103 = arith.constant 1.000000e+00 : f32
    %add3A_1104 = vector.broadcast %add3A_1103 : f32 to vector<128x2048xf32>
    %add3A_1105 = arith.addf %sub3A_1102, %add3A_1104 : vector<128x2048xf32>
    %max3A_1106 = arith.constant 0.000000e+00 : f32
    %max3A_1107 = vector.broadcast %max3A_1106 : f32 to vector<128x2048xf32>
    %max3A_1108 = arith.maximumf %max3A_1107, %add3A_1105 : vector<128x2048xf32>
    %sub3A_1109 = arith.subf %min3A_1101, %max3A_1095 : vector<128x2048xf32>
    %add3A_1110 = arith.constant 1.000000e+00 : f32
    %add3A_1111 = vector.broadcast %add3A_1110 : f32 to vector<128x2048xf32>
    %add3A_1112 = arith.addf %sub3A_1109, %add3A_1111 : vector<128x2048xf32>
    %max3A_1113 = arith.constant 0.000000e+00 : f32
    %max3A_1114 = vector.broadcast %max3A_1113 : f32 to vector<128x2048xf32>
    %max3A_1115 = arith.maximumf %max3A_1114, %add3A_1112 : vector<128x2048xf32>
    %mul3A_1116 = arith.mulf %max3A_1108, %max3A_1115 : vector<128x2048xf32>
    %add3A_1117 = vector.broadcast %slice3A_1089 : vector<128x1xf32> to vector<128x2048xf32>
    %add3A_1118 = vector.broadcast %mul3A_149 : vector<1x2048xf32> to vector<128x2048xf32>
    %add3A_1119 = arith.addf %add3A_1117, %add3A_1118 : vector<128x2048xf32>
    %sub3A_1120 = arith.subf %add3A_1119, %mul3A_1116 : vector<128x2048xf32>
    %div3A_1121 = arith.divf %mul3A_1116, %sub3A_1120 : vector<128x2048xf32>
    %iota3A_1122 = tpu.iota {dimensions = array<i32: 0>} : vector<128x2048xi32>
    %add3A_1123 = arith.constant 1920 : i32
    %add3A_1124 = vector.broadcast %add3A_1123 : i32 to vector<128x2048xi32>
    %add3A_1125 = arith.addi %iota3A_1122, %add3A_1124 : vector<128x2048xi32>
    %gt3A_1126 = arith.constant 0.699999988 : f32
    %gt3A_1127 = vector.broadcast %gt3A_1126 : f32 to vector<128x2048xf32>
    %gt3A_1128 = arith.cmpf ogt, %div3A_1121, %gt3A_1127 : vector<128x2048xf32>
    %ne3A_1129 = vector.broadcast %iota3A : vector<1x2048xi32> to vector<128x2048xi32>
    %ne3A_1130 = arith.cmpi ne, %add3A_1125, %ne3A_1129 : vector<128x2048xi32>
    %and3A_1131 = arith.andi %gt3A_1128, %ne3A_1130 : vector<128x2048xi1>
    %convert_element_type3A_1132 = arith.extui %and3A_1131 : vector<128x2048xi1> to vector<128x2048xi32>
    %convert_element_type3A_1133 = arith.sitofp %convert_element_type3A_1132 : vector<128x2048xi32> to vector<128x2048xf32>
    %swap3A_1134 = arith.constant 1920 : index
    %swap3A_1135 = arith.constant 0 : index
    %swap3A_1136 = vector.load %arg9[%swap3A_1134, %swap3A_1135] : memref<2048x2048xf32, #tpu.memory_space<vmem>>, vector<128x2048xf32>
    tpu.vector_store %arg9[%swap3A_1134, %swap3A_1135], %convert_element_type3A_1133 {strides = array<i32>} : memref<2048x2048xf32, #tpu.memory_space<vmem>>, vector<128x2048xf32>,
    %sub3A_1137 = arith.constant 1.000000e+00 : f32
    %sub3A_1138 = vector.broadcast %sub3A_1137 : f32 to vector<1x2048xf32>
    %sub3A_1139 = arith.subf %sub3A_1138, %convert_element_type3A_150 : vector<1x2048xf32>
    %swap3A_1140 = arith.constant 0 : index
    %swap3A_1141 = arith.constant 0 : index
    %swap3A_1142 = vector.load %arg11[%swap3A_1140, %swap3A_1141] : memref<1x2048xf32, #tpu.memory_space<vmem>>, vector<1x2048xf32>
    tpu.vector_store %arg11[%swap3A_1140, %swap3A_1141], %sub3A_1139 {strides = array<i32>} : memref<1x2048xf32, #tpu.memory_space<vmem>>, vector<1x2048xf32>,
    %while3A = arith.constant 0 : i32
    %while3A_1143 = arith.constant 0 : i32
    %while3A_1144:2 = scf.while (%while3A_1212 = %while3A, %while3A_1213 = %while3A_1143) : (i32, i32) -> (i32, i32) {
      %lt3A_1214 = arith.constant 2000 : i32
      %lt3A_1215 = arith.cmpi slt, %while3A_1212, %lt3A_1214 : i32
      %lt3A_1216 = arith.constant 1000 : i32
      %lt3A_1217 = arith.cmpi slt, %while3A_1213, %lt3A_1216 : i32
      %and3A_1218 = arith.andi %lt3A_1215, %lt3A_1217 : i1
      scf.condition(%and3A_1218) %while3A_1212, %while3A_1213 : i32, i32
    } do {
    ^bb0(%while3A_1212: i32, %while3A_1213: i32):
      %eq3A_1214 = vector.broadcast %while3A_1212 : i32 to vector<1x2048xi32>
      %eq3A_1215 = arith.cmpi eq, %iota3A, %eq3A_1214 : vector<1x2048xi32>
      %get3A_1216 = arith.constant 0 : index
      %get3A_1217 = arith.constant 0 : index
      %get3A_1218 = vector.load %arg11[%get3A_1216, %get3A_1217] : memref<1x2048xf32, #tpu.memory_space<vmem>>, vector<1x2048xf32>
      %jit3A_1219 = arith.constant 0.000000e+00 : f32
      %broadcast_in_dim3A_1220 = vector.broadcast %jit3A_1219 : f32 to vector<1x2048xf32>
      %select_n3A_1221 = arith.select %eq3A_1215, %get3A_1218, %broadcast_in_dim3A_1220 : vector<1x2048xi1>, vector<1x2048xf32>
      %reduce_sum3A = vector.shape_cast %select_n3A_1221 : vector<1x2048xf32> to vector<1x1x2048xf32>
      %reduce_sum3A_1222 = arith.constant dense<0.000000e+00> : vector<1xf32>
      %reduce_sum3A_1223 = vector.multi_reduction <add>, %reduce_sum3A, %reduce_sum3A_1222 [1, 2] : vector<1x1x2048xf32> to vector<1xf32>
      %reduce_sum3A_1224 = vector.shape_cast %reduce_sum3A_1223 : vector<1xf32> to vector<1x1x1xf32>
      %reduce_sum3A_1225 = vector.extract %reduce_sum3A_1224[0, 0, 0] : f32 from vector<1x1x1xf32>
      %eq3A_1226 = arith.constant 0.000000e+00 : f32
      %eq3A_1227 = arith.cmpf oeq, %reduce_sum3A_1225, %eq3A_1226 : f32
      %convert_element_type3A_1228 = arith.extui %eq3A_1227 : i1 to i32
      %cond3A = arith.constant 0 : i32
      %cond3A_1229 = arith.cmpi ne, %convert_element_type3A_1228, %cond3A : i32
      scf.if %cond3A_1229 {
        %get3A_1238 = arith.constant 0 : index
        %get3A_1239 = arith.constant 0 : index
        %get3A_1240 = vector.load %arg11[%get3A_1238, %get3A_1239] : memref<1x2048xf32, #tpu.memory_space<vmem>>, vector<1x2048xf32>
        %get3A_1241 = arith.index_cast %while3A_1212 : i32 to index
        %get3A_1242 = arith.constant 0 : index
        %get3A_1243 = vector.load %arg9[%get3A_1241, %get3A_1242] : memref<2048x2048xf32, #tpu.memory_space<vmem>>, vector<1x2048xf32>
        %max3A_1244 = arith.maximumf %get3A_1240, %get3A_1243 : vector<1x2048xf32>
        %swap3A_1245 = arith.constant 0 : index
        %swap3A_1246 = arith.constant 0 : index
        %swap3A_1247 = vector.load %arg11[%swap3A_1245, %swap3A_1246] : memref<1x2048xf32, #tpu.memory_space<vmem>>, vector<1x2048xf32>
        tpu.vector_store %arg11[%swap3A_1245, %swap3A_1246], %max3A_1244 {strides = array<i32>} : memref<1x2048xf32, #tpu.memory_space<vmem>>, vector<1x2048xf32>,
      } else {
      }
      %add3A_1230 = arith.constant 1 : i32
      %add3A_1231 = arith.addi %while3A_1212, %add3A_1230 : i32
      %eq3A_1232 = arith.constant 0.000000e+00 : f32
      %eq3A_1233 = arith.cmpf oeq, %reduce_sum3A_1225, %eq3A_1232 : f32
      %jit3A_1234 = arith.constant 1 : i32
      %jit3A_1235 = arith.constant 0 : i32
      %select_n3A_1236 = arith.select %eq3A_1233, %jit3A_1234, %jit3A_1235 : i32
      %add3A_1237 = arith.addi %while3A_1213, %select_n3A_1236 : i32
      scf.yield %add3A_1231, %add3A_1237 : i32, i32
    }
    %get3A_1145 = arith.constant 0 : index
    %get3A_1146 = arith.constant 0 : index
    %get3A_1147 = vector.load %arg11[%get3A_1145, %get3A_1146] : memref<1x2048xf32, #tpu.memory_space<vmem>>, vector<1x2048xf32>
    %eq3A = arith.constant 0.000000e+00 : f32
    %eq3A_1148 = vector.broadcast %eq3A : f32 to vector<1x2048xf32>
    %eq3A_1149 = arith.cmpf oeq, %get3A_1147, %eq3A_1148 : vector<1x2048xf32>
    %jit3A_1150 = arith.constant 1.000000e+00 : f32
    %jit3A_1151 = arith.constant 0.000000e+00 : f32
    %broadcast_in_dim3A_1152 = vector.broadcast %jit3A_1150 : f32 to vector<1x2048xf32>
    %broadcast_in_dim3A_1153 = vector.broadcast %jit3A_1151 : f32 to vector<1x2048xf32>
    %select_n3A = arith.select %eq3A_1149, %broadcast_in_dim3A_1152, %broadcast_in_dim3A_1153 : vector<1x2048xi1>, vector<1x2048xf32>
    %iota3A_1154 = tpu.iota {dimensions = array<i32: 0>} : vector<2048x2048xi32>
    %iota3A_1155 = tpu.iota {dimensions = array<i32: 1>} : vector<2048x2048xi32>
    %lt3A_1156 = arith.cmpi slt, %iota3A_1154, %iota3A_1155 : vector<2048x2048xi32>
    %convert_element_type3A_1157 = arith.extui %lt3A_1156 : vector<2048x2048xi1> to vector<2048x2048xi32>
    %convert_element_type3A_1158 = arith.sitofp %convert_element_type3A_1157 : vector<2048x2048xi32> to vector<2048x2048xf32>
    %dot_general3A = arith.constant dense<0.000000e+00> : vector<1x2048xf32>
    %dot_general3A_1159 = tpu.matmul %select_n3A, %convert_element_type3A_1158, %dot_general3A {dimension_numbers = #tpu.dot_dimension_numbers<[1], [0], [0], [1], [0, 0, 1, 1], [], []>, transpose_lhs_hint = false} : vector<1x2048xf32>, vector<2048x2048xf32>, vector<1x2048xf32> -> vector<1x2048xf32>
    %iota3A_1160 = tpu.iota {dimensions = array<i32: 0>} : vector<1024x1xi32>
    %convert_element_type3A_1161 = arith.sitofp %iota3A_1160 : vector<1024x1xi32> to vector<1024x1xf32>
    %eq3A_1162 = vector.broadcast %dot_general3A_1159 : vector<1x2048xf32> to vector<1024x2048xf32>
    %eq3A_1163 = vector.broadcast %convert_element_type3A_1161 : vector<1024x1xf32> to vector<1024x2048xf32>
    %eq3A_1164 = arith.cmpf oeq, %eq3A_1162, %eq3A_1163 : vector<1024x2048xf32>
    %gt3A_1165 = arith.constant 0.000000e+00 : f32
    %gt3A_1166 = vector.broadcast %gt3A_1165 : f32 to vector<1x2048xf32>
    %gt3A_1167 = arith.cmpf ogt, %select_n3A, %gt3A_1166 : vector<1x2048xf32>
    %and3A_1168 = vector.broadcast %gt3A_1167 : vector<1x2048xi1> to vector<1024x2048xi1>
    %and3A_1169 = arith.andi %eq3A_1164, %and3A_1168 : vector<1024x2048xi1>
    %jit3A_1170 = arith.constant 1.000000e+00 : f32
    %jit3A_1171 = arith.constant 0.000000e+00 : f32
    %broadcast_in_dim3A_1172 = vector.broadcast %jit3A_1170 : f32 to vector<1024x2048xf32>
    %broadcast_in_dim3A_1173 = vector.broadcast %jit3A_1171 : f32 to vector<1024x2048xf32>
    %select_n3A_1174 = arith.select %and3A_1169, %broadcast_in_dim3A_1172, %broadcast_in_dim3A_1173 : vector<1024x2048xi1>, vector<1024x2048xf32>
    %get3A_1175 = arith.constant 0 : index
    %get3A_1176 = arith.constant 0 : index
    %get3A_1177 = vector.load %arg10[%get3A_1175, %get3A_1176] : memref<2048x8xf32, #tpu.memory_space<vmem>>, vector<2048x8xf32>
    %dot_general3A_1178 = arith.constant dense<0.000000e+00> : vector<1024x8xf32>
    %dot_general3A_1179 = tpu.matmul %select_n3A_1174, %get3A_1177, %dot_general3A_1178 {dimension_numbers = #tpu.dot_dimension_numbers<[1], [0], [0], [1], [0, 0, 1, 1], [], []>, transpose_lhs_hint = false} : vector<1024x2048xf32>, vector<2048x8xf32>, vector<1024x8xf32> -> vector<1024x8xf32>
    %convert_element_type3A_1180 = arith.sitofp %arg0 : i32 to f32
    %slice3A_1181 = vector.extract_strided_slice %dot_general3A_1179 {offsets = [0, 5], sizes = [1024, 1], strides = [1, 1]} : vector<1024x8xf32> to vector<1024x1xf32>
    %mul3A_1182 = vector.broadcast %convert_element_type3A_1180 : f32 to vector<1024x1xf32>
    %mul3A_1183 = arith.mulf %mul3A_1182, %slice3A_1181 : vector<1024x1xf32>
    %swap3A_1184 = arith.constant 0 : index
    %swap3A_1185 = arith.constant 0 : index
    %swap3A_1186 = arith.constant 0 : index
    %swap3A_1187 = vector.load %arg8[%swap3A_1184, %swap3A_1185, %swap3A_1186] : memref<1x1024x8xf32, #tpu.memory_space<vmem>>, vector<1x1024x1xf32>
    %swap3A_1188 = vector.shape_cast %swap3A_1187 : vector<1x1024x1xf32> to vector<1024x1xf32>
    %swap3A_1189 = vector.shape_cast %mul3A_1183 : vector<1024x1xf32> to vector<1x1024x1xf32>
    tpu.vector_store %arg8[%swap3A_1184, %swap3A_1185, %swap3A_1186], %swap3A_1189 {strides = array<i32>} : memref<1x1024x8xf32, #tpu.memory_space<vmem>>, vector<1x1024x1xf32>,
    %slice3A_1190 = vector.extract_strided_slice %dot_general3A_1179 {offsets = [0, 0], sizes = [1024, 4], strides = [1, 1]} : vector<1024x8xf32> to vector<1024x4xf32>
    %swap3A_1191 = arith.constant 0 : index
    %swap3A_1192 = arith.constant 0 : index
    %swap3A_1193 = arith.constant 1 : index
    %swap3A_1194 = vector.load %arg8[%swap3A_1191, %swap3A_1192, %swap3A_1193] : memref<1x1024x8xf32, #tpu.memory_space<vmem>>, vector<1x1024x4xf32>
    %swap3A_1195 = vector.shape_cast %swap3A_1194 : vector<1x1024x4xf32> to vector<1024x4xf32>
    %swap3A_1196 = vector.shape_cast %slice3A_1190 : vector<1024x4xf32> to vector<1x1024x4xf32>
    tpu.vector_store %arg8[%swap3A_1191, %swap3A_1192, %swap3A_1193], %swap3A_1196 {strides = array<i32>} : memref<1x1024x8xf32, #tpu.memory_space<vmem>>, vector<1x1024x4xf32>,
    %slice3A_1197 = vector.extract_strided_slice %dot_general3A_1179 {offsets = [0, 4], sizes = [1024, 1], strides = [1, 1]} : vector<1024x8xf32> to vector<1024x1xf32>
    %swap3A_1198 = arith.constant 0 : index
    %swap3A_1199 = arith.constant 0 : index
    %swap3A_1200 = arith.constant 5 : index
    %swap3A_1201 = vector.load %arg8[%swap3A_1198, %swap3A_1199, %swap3A_1200] : memref<1x1024x8xf32, #tpu.memory_space<vmem>>, vector<1x1024x1xf32>
    %swap3A_1202 = vector.shape_cast %swap3A_1201 : vector<1x1024x1xf32> to vector<1024x1xf32>
    %swap3A_1203 = vector.shape_cast %slice3A_1197 : vector<1024x1xf32> to vector<1x1024x1xf32>
    tpu.vector_store %arg8[%swap3A_1198, %swap3A_1199, %swap3A_1200], %swap3A_1203 {strides = array<i32>} : memref<1x1024x8xf32, #tpu.memory_space<vmem>>, vector<1x1024x1xf32>,
    %broadcast_in_dim3A_1204 = arith.constant 0.000000e+00 : f32
    %broadcast_in_dim3A_1205 = vector.broadcast %broadcast_in_dim3A_1204 : f32 to vector<1024x2xf32>
    %swap3A_1206 = arith.constant 0 : index
    %swap3A_1207 = arith.constant 0 : index
    %swap3A_1208 = arith.constant 6 : index
    %swap3A_1209 = vector.load %arg8[%swap3A_1206, %swap3A_1207, %swap3A_1208] : memref<1x1024x8xf32, #tpu.memory_space<vmem>>, vector<1x1024x2xf32>
    %swap3A_1210 = vector.shape_cast %swap3A_1209 : vector<1x1024x2xf32> to vector<1024x2xf32>
    %swap3A_1211 = vector.shape_cast %broadcast_in_dim3A_1205 : vector<1024x2xf32> to vector<1x1024x2xf32>
    tpu.vector_store %arg8[%swap3A_1206, %swap3A_1207, %swap3A_1208], %swap3A_1211 {strides = array<i32>} : memref<1x1024x8xf32, #tpu.memory_space<vmem>>, vector<1x1024x2xf32>,
    return
  }
  func.func @transform_0(%arg0: i32) -> (i32, i32, i32) {
    %c0_i32 = arith.constant 0 : i32
    %c0_i32_0 = arith.constant 0 : i32
    %c0_i32_1 = arith.constant 0 : i32
    return %arg0, %c0_i32, %c0_i32_0 : i32, i32, i32
  }
  func.func @transform_1(%arg0: i32) -> (i32, i32, i32) {
    %c0_i32 = arith.constant 0 : i32
    %c0_i32_0 = arith.constant 0 : i32
    %c0_i32_1 = arith.constant 0 : i32
    return %arg0, %c0_i32, %c0_i32_0 : i32, i32, i32
  }
  func.func @transform_2(%arg0: i32) -> (i32, i32, i32) {
    %c0_i32 = arith.constant 0 : i32
    %c0_i32_0 = arith.constant 0 : i32
    %c0_i32_1 = arith.constant 0 : i32
    return %arg0, %c0_i32, %c0_i32_0 : i32, i32, i32
  }
  func.func @transform_3(%arg0: i32) -> (i32, i32, i32) {
    %c0_i32 = arith.constant 0 : i32
    %c0_i32_0 = arith.constant 0 : i32
    %c0_i32_1 = arith.constant 0 : i32
    return %arg0, %c0_i32, %c0_i32_0 : i32, i32, i32
  }
  func.func @transform_4(%arg0: i32) -> (i32, i32, i32) {
    %c0_i32 = arith.constant 0 : i32
    %c0_i32_0 = arith.constant 0 : i32
    %c0_i32_1 = arith.constant 0 : i32
    return %arg0, %c0_i32, %c0_i32_0 : i32, i32, i32
  }
  func.func @transform_5(%arg0: i32) -> (i32, i32, i32) {
    %c0_i32 = arith.constant 0 : i32
    %c0_i32_0 = arith.constant 0 : i32
    %c0_i32_1 = arith.constant 0 : i32
    return %arg0, %c0_i32, %c0_i32_0 : i32, i32, i32
  }
  func.func @transform_6(%arg0: i32) -> (i32, i32, i32) {
    %c0_i32 = arith.constant 0 : i32
    %c0_i32_0 = arith.constant 0 : i32
    %c0_i32_1 = arith.constant 0 : i32
    return %arg0, %c0_i32, %c0_i32_0 : i32, i32, i32
  }
  func.func @transform_7(%arg0: i32) -> (i32, i32, i32) {
    %c0_i32 = arith.constant 0 : i32
    %c0_i32_0 = arith.constant 0 : i32
    %c0_i32_1 = arith.constant 0 : i32
    return %arg0, %c0_i32, %c0_i32_0 : i32, i32, i32
  }
}

</mosaic_0001>

<sc_bundles>
// kernel: gather_offload_async_start.1
scs
__scs_entry_jumppad:
0x0: {  	(pc) =	sbr.rel $0x88, $3  }
0x1: {  	(tag) =	ssettag $0x0;
	lr =	simm.s32 $0x1  }
0x2: {  	[smem:$0x3F9E] =	sst lr;
	_ =	strace $0xD0000000  }
0x3: {  	_ = 	snop  }
0x4: {  	_ = 	snop  }
0x5: {  	_ = 	snop  }
0x6: {  	_ = 	snop  }
0x7: {  	_ = 	snop  }
__scs_overlays_trampoline_lowered:
0x8: {  	[smem:$0x3FAD] =	sst s0  }
0x9: {  	[smem:$0x3FAE] =	sst s1  }
0xa: {  	[smem:$0x3FAF] =	sst s2  }
0xb: {  	[smem:$0x3FB0] =	sst s3  }
0xc: {  	[smem:$0x3FB1] =	sst s4  }
0xd: {  	[smem:$0x3FB2] =	sst s5  }
0xe: {  	[smem:$0x3FB3] =	sst s6  }
0xf: {  	[smem:$0x3FB4] =	sst s7  }
0x10: {  	[smem:$0x3FB5] =	sst s8  }
0x11: {  	[smem:$0x3FB6] =	sst s9;
	s0 =	simm.s32 @!p0 $0x0  }
0x12: {  	s1 =	sld [smem:$0x3F9C];
	s0 =	simm.s32 @p0 $0x1  }
0x13: {  	[smem:$0x3FB7] =	sst s0;
	s0 =	simm.s32 @!p1 $0x0  }
0x14: {  	s2 =	sld [smem:$0x3F9B];
	s0 =	simm.s32 @p1 $0x1  }
0x15: {  	[smem:$0x3FB8] =	sst s0;
	s0 =	simm.s32 @!p2 $0x0  }
0x16: {  	s3 =	sld [smem:$0x3FDB];
	s0 =	simm.s32 @p2 $0x1  }
0x17: {  	s4 =	simm.s32 $0x1BF5;
	[smem:$0x3FBA] =	sst s0  }
0x18: {  	s0 =	sld [smem:$0x3F9D];
	_ =	swait.ge [sflag:s4], $0x0  }
0x19: {  	s7 =	sld [smem:$0x3F9E]  }
0x1a: {  	s8 =	sadd.s32 $0xFFFFE003, lr  }
0x1b: {  	s9 =	sadd.s32 $0xFFFFFEF7, lr;
	s5 =	simm.s32 $0xFFFFFFFF;
	p2 =	slt.u32 s8, $0xFFFFF086  }
0x1c: {  	p1 =	slt.u32 s9, $0xF7A;
	s5 =	simm.s32 @!p2 $0x0  }
0x1d: {  	s5 =	simm.s32 @p1 $0x1;
	p0 =	seq.s32 s7, s2  }
0x1e: {  	s7 =	smul.u32 @!p0 $0xF7A, s2;
	p2 =	seq.s32 @!p0 s5, $0x0  }
0x1f: {  	s9 =	smul.u32 $0xF7A, s1;
	s8 =	simm.s32 @!p0 $0x1BF5;
	p2 =	por !p2, p0  }
0x20: {  	[sflag:s8] =	ssyncset.s32 @!p0 $0xFFFFF086;
	s6 =	sadd.s32 @!p0 s3, s7;
	s7 =	simm.s32 @!p0 $0x108  }
0x21: {  	s3 =	sadd.s32 s3, s9;
	s6 =	sadd.s32 @!p0 $0x88, s6;
	s7 =	simm.s32 @p2 $0x1082  }
0x22: {  	[simem:s7], [sflag:s8] =	dma.local @!p0 [hbm:s6], $0xF7A  }
0x23: {  	s9 =	sor.u32 $0xD0000000, s2;
	s6 =	simm.s32 $0x108;
	_ =	swait.ge @!p0 [sflag:s8], $0x0  }
0x24: {  	s3 =	sadd.s32 $0x88, s3;
	s6 =	simm.s32 @!p1 $0x1082;
	[sflag:s4] =	ssyncset.s32 $0xFFFFF086  }
0x25: {  	[simem:s6], [sflag:s4] =	dma.local [hbm:s3], $0xF7A  }
0x26: {  	[smem:$0x3F9E] =	sst s1;
	(tag) =	ssettag s2;
	_ =	strace s9  }
0x27: {  	s1 =	sld [smem:$0x3FAE]  }
0x28: {  	s2 =	sld [smem:$0x3FAF]  }
0x29: {  	s4 =	sld [smem:$0x3FB1]  }
0x2a: {  	p0 =	seq.s32 s5, $0x0;
	s5 =	sld [smem:$0x3FB2]  }
0x2b: {  	s6 =	sld [smem:$0x3FB3]  }
0x2c: {  	s7 =	sld [smem:$0x3FB4]  }
0x2d: {  	s3 =	simm.s32 $0x108;
	s8 =	sld [smem:$0x3FB5]  }
0x2e: {  	s3 =	simm.s32 @!p0 $0x1082;
	s9 =	sld [smem:$0x3FB6]  }
0x2f: {  	lr =	sadd.s32 s0, s3;
	s0 =	sld [smem:$0x3FAD]  }
0x30: {  	s3 =	sld [smem:$0x3FB0]  }
0x31: {  	[smem:$0x3FB9] =	sst s10  }
0x32: {  	s10 =	sld [smem:$0x3FB7];
	_ =	sdelay $0x3  }
0x33: {  	p0 =	seq.s32 s10, $0x1;
	s10 =	sld [smem:$0x3FB9];
	_ =	sdelay $0x3  }
0x34: {  	[smem:$0x3FB9] =	sst s10  }
0x35: {  	s10 =	sld [smem:$0x3FB8];
	_ =	sdelay $0x3  }
0x36: {  	p1 =	seq.s32 s10, $0x1;
	s10 =	sld [smem:$0x3FB9];
	_ =	sdelay $0x3  }
0x37: {  	[smem:$0x3FB9] =	sst s10  }
0x38: {  	s10 =	sld [smem:$0x3FBA]  }
0x39: {  	_ = 	snop;
	(pc) =	sbr.ind lr, $3  }
0x3a: {  	_ = 	snop  }
0x3b: {  	_ = 	snop  }
0x3c: {  	p2 =	seq.s32 s10, $0x1;
	s10 =	sld [smem:$0x3FB9]  }
0x3d: {  	_ =	shalt  }
0x3e: {  	_ =	shalt  }
0x3f: {  	_ =	shalt  }
0x40: {  	_ =	shalt  }
0x41: {  	_ =	shalt  }
0x42: {  	_ =	shalt  }
0x43: {  	_ =	shalt  }
0x44: {  	_ =	shalt  }
0x45: {  	_ =	shalt  }
0x46: {  	_ =	shalt  }
0x47: {  	_ =	shalt  }
0x48: {  	_ =	shalt  }
0x49: {  	_ =	shalt  }
0x4a: {  	_ =	shalt  }
0x4b: {  	_ =	shalt  }
0x4c: {  	_ =	shalt  }
0x4d: {  	_ =	shalt  }
0x4e: {  	_ =	shalt  }
0x4f: {  	_ =	shalt  }
0x50: {  	_ =	shalt  }
0x51: {  	_ =	shalt  }
0x52: {  	_ =	shalt  }
0x53: {  	_ =	shalt  }
0x54: {  	_ =	shalt  }
0x55: {  	_ =	shalt  }
0x56: {  	_ =	shalt  }
0x57: {  	_ =	shalt  }
0x58: {  	_ =	shalt  }
0x59: {  	_ =	shalt  }
0x5a: {  	_ =	shalt  }
0x5b: {  	_ =	shalt  }
0x5c: {  	_ =	shalt  }
0x5d: {  	_ =	shalt  }
0x5e: {  	_ =	shalt  }
0x5f: {  	_ =	shalt  }
0x60: {  	_ =	shalt  }
0x61: {  	_ =	shalt  }
0x62: {  	_ =	shalt  }
0x63: {  	_ =	shalt  }
0x64: {  	_ =	shalt  }
0x65: {  	_ =	shalt  }
0x66: {  	_ =	shalt  }
0x67: {  	_ =	shalt  }
0x68: {  	_ =	shalt  }
0x69: {  	_ =	shalt  }
0x6a: {  	_ =	shalt  }
0x6b: {  	_ =	shalt  }
0x6c: {  	_ =	shalt  }
0x6d: {  	_ =	shalt  }
0x6e: {  	_ =	shalt  }
0x6f: {  	_ =	shalt  }
0x70: {  	_ =	shalt  }
0x71: {  	_ =	shalt  }
0x72: {  	_ =	shalt  }
0x73: {  	_ =	shalt  }
0x74: {  	_ =	shalt  }
0x75: {  	_ =	shalt  }
0x76: {  	_ =	shalt  }
0x77: {  	_ =	shalt  }
0x78: {  	_ =	shalt  }
0x79: {  	_ =	shalt  }
0x7a: {  	_ =	shalt  }
0x7b: {  	_ =	shalt  }
0x7c: {  	_ =	shalt  }
0x7d: {  	_ =	shalt  }
0x7e: {  	_ =	shalt  }
0x7f: {  	_ =	shalt  }
0x80: {  	_ =	shalt  }
0x81: {  	_ =	shalt  }
0x82: {  	_ =	shalt  }
0x83: {  	_ =	shalt  }
0x84: {  	_ =	shalt  }
0x85: {  	_ =	shalt  }
0x86: {  	_ =	shalt  }
0x87: {  	_ =	shalt  }
.Lfunc_end0:
.L_simem_size_0:
called_computation.1_lowered:
.L_overlay_start_0:
0x88: {  	s2 =	sld [smem:$0x3FD9]  }
0x89: {  	s3 =	sld [smem:$0x3FFE];
	_ =	sdelay $0x1  }
0x8a: {  	s1 =	srdreg.scid  }
0x8b: {  	s0 =	sand.u32 $0x1, s1  }
0x8c: {  	s14 =	sshll.u32 s0, $0xA;
	s2 =	sadd.s32 s3, s2  }
0x8d: {  	s2 =	sadd.s32 s2, s14  }
0x8e: {  	[smem:$0x3FC5] =	sst s2  }
0x8f: {  	_ = 	snop  }
0x90: {  	s2 =	sld [smem:$0x3FD0];
	_ =	sdelay $0x2  }
0x91: {  	s15 =	simm.s32 $0xB;
	s4 =	simm.s32 $0x10  }
0x92: {  	[smem:s4], [sflag:s15] =	dma.local [hbm:s2], $0x1  }
0x93: {  	_ =	swait.eq [sflag:s15], $0x1  }
0x94: {  	[sflag:s15] =	ssyncset.done $0x0  }
0x95: {  	[sflag:s15] =	ssyncadd.s32 $0xFFFFFFFF  }
0x96: {  	s16 =	sld [smem:$0x10];
	(tm) =	ssettm $0x1  }
0x97: {  	s17 =	sld [smem:$0x3FFB];
	_ =	sdelay $0x3  }
0x98: {  	_ =	strace s17  }
0x99: {  	s3 =	sld [smem:$0x3FFC];
	_ =	sdelay $0x3  }
0x9a: {  	_ =	strace s3  }
0x9b: {  	s3 =	sld [smem:$0x3FFD];
	_ =	sdelay $0x3  }
0x9c: {  	_ =	strace s3  }
0x9d: {  	_ =	strace $0x8FFFFFFF  }
0x9e: {  	s18 =	sld [smem:$0x3FDB];
	_ =	sdelay $0x1  }
0x9f: {  	s19 =	simm.s32 $_scs_section_size  }
0xa0: {  	s5 =	simm.s32 $_size__tile_overlayer_lowered;
	s6 =	simm.s32 $_tile_overlayer_lowered  }
0xa1: {  	s22 =	simm.s32 $0x1BFF;
	s21 =	sshll.u32 s6, $0x1;
	s3 =	sadd.s32 s19, s18  }
0xa2: {  	s7 =	simm.s32 $0x0;
	s20 =	sshll.u32 s5, $0x1;
	s5 =	sadd.s32 s21, s3  }
0xa3: {  	[timem:s7], [sflag:s22] =	dma.local [hbm:s5], s20  }
0xa4: {  	_ =	swait.ge [sflag:s22], s20  }
0xa5: {  	s4 =	ssub.s32 $0x0, s20;
	[sflag:s22] =	ssyncset.done $0x0  }
0xa6: {  	[sflag:s22] =	ssyncadd.s32 s4;
	_ =	sdelay $0x1  }
0xa7: {  	s23 =	simm.s32 $0x1B8B  }
0xa8: {  	_ =	swait.ge [sflag:s23], $0x1  }
0xa9: {  	[sflag:s23] =	ssyncset.done $0x0  }
0xaa: {  	s25 =	simm.s32 $0x1B8E;
	s24 =	sld [smem:$0x3FFE];
	[sflag:s23] =	ssyncadd.s32 $0xFFFFFFFF  }
0xab: {  	s26 =	simm.s32 $execute0_lowered;
	[smem:$0x3FD2] =	sst s25  }
0xac: {  	s5 =	sshll.u32 s26, $0x1;
	_ =	strace $0x80000046;
	[dreg:$0x1] =	wrdreg $0xFFFFFFFF  }
0xad: {  	s28 =	simm.s32 $_size_execute0_lowered;
	s3 =	sadd.s32 s3, s5;
	[dreg:$0x0] =	wrdreg $0x0  }
0xae: {  	s5 =	sshll.u32 s28, $0x1;
	[dreg:$0x2] =	wrdreg s3  }
0xaf: {  	[dreg:$0x3] =	wrdreg s5  }
0xb0: {  	[dreg:$0x4] =	wrdreg $0xC0  }
0xb1: {  	_ =	task [dreg:s7], $0x5FFFF  }
0xb2: {  	[dreg:$0x1] =	wrdreg $0xFFFFFFFF  }
0xb3: {  	[dreg:$0x0] =	wrdreg $0x60  }
0xb4: {  	[dreg:$0x2] =	wrdreg s24  }
0xb5: {  	[dreg:$0x3] =	wrdreg s16  }
0xb6: {  	[dreg:$0x4] =	wrdreg $0xA  }
0xb7: {  	_ =	task.clear_ibuf [dreg:s7], $0x5FFFF;
	_ =	strace $0x90000046  }
0xb8: {  	s29 =	simm.s32 $0xA;
	_ =	strace $0x80000048  }
0xb9: {  	_ =	swait.ge [sflag:s29], $0x1  }
0xba: {  	[sflag:s29] =	ssyncadd.s32 $0xFFFFFFFF  }
0xbb: {  	_ =	strace $0x90000048  }
0xbc: {  	_ =	sfence  }
0xbd: {  	s30 =	sld [smem:$0x0];
	_ =	sdelay $0x2  }
0xbe: {  	s31 =	sshll.u32 s1, $0xD;
	s1 =	sshrl.u32 s1, $0x2  }
0xbf: {  	s3 =	sand.u32 $0x4000, s31;
	s1 =	sadd.s32 s1, s30  }
0xc0: {  	s0 =	sor.u32 s3, s0;
	s1 =	sshll.u32 s1, $0x11  }
0xc1: {  	s0 =	sor.u32 s1, s0  }
0xc2: {  	s0 =	sadd.s32 $0x8F2B, s0  }
0xc3: {  	[sflag:s0] =	ssyncadd.remote.s32 $0x1  }
0xc4: {  	_ =	sfence.sel $0xFFFF  }
0xc5: {  	[dreg:$0x0] =	wrdreg $0xFFFFFFFF;
	(pc) =	sbr.abs _section_cstart, $3  }
0xc6: {  	[dreg:$0x1] =	wrdreg $0xFFFFFFFF  }
0xc7: {  	_ =	task.clear_ibuf [dreg:s7], $0x2FFFF;
	_ =	strace $0x9FFFFFFF  }
0xc8: {  	(tm) =	ssettm $0x7FFFFFFF  }
0xc9: {  	_ =	shalt  }
tec
execute0_lowered:
.L_overlay_start_1:
0x0: {  	(tag) =	ssettag $0x1  }
0x1: {  	s0 =	srdreg.scid  }
0x2: {  	s1 =	sshll.u32 s0, $0x4  }
0x3: {  	s0 =	stileid.u32;
	s1 =	sand.u32 $0x10, s1  }
0x4: {  	s2 =	sor.u32 s0, s1  }
0x5: {  	s1 =	smin.u32 s2, $0x12  }
0x6: {  	s1 =	sadd.s32 s2, s1  }
0x7: {  	p0 =	slt.u32 s2, $0x12;
	s2 =	simm.s32 $0xA0;
	s1 =	smul.u32 $0x50, s1  }
0x8: {  	s2 =	simm.s32 @!p0 $0x50  }
0x9: {  	s2 =	sadd.s32 s2, s1  }
0xa: {  	s3 =	smin.u32 s2, $0xFA0  }
0xb: {  	s7 =	ssub.s32 s3, s1  }
0xc: {  	p0 =	sgt.s32 s7, $0x0  }
0xd: {  	s7 =	simm.s32 @!p0 $0x0  }
0xe: {  	s4 =	rddreg [dreg:$0x0];
	s31 =	smul.u32 $0xCCCD, s7  }
0xf: {  	s5 =	rddreg [dreg:$0x1]  }
0x10: {  	s6 =	simm.s32 $0x1;
	s10 =	simm.s32 $0x3;
	s8 =	sshrl.u32 s31, $0x16  }
0x11: {  	s13 =	simm.s32 $0x0;
	s12 =	simm.s32 $0x0;
	s9 =	smul.u32 $0x50, s8  }
.Ltmp0:
0x12: {  	s11 =	smov.u32 s1;
	s2 =	rddreg [dreg:$0x2];
	(pc) =	sbr.rel .LBB2_1-.Ltmp0, $4  }
0x13: {  	_ =	strace $0x80000047;
	p0 =	sne.s32 s7, s9;
	s9 =	simm.s32 $0x1  }
0x14: {  	[sflag:s6] =	ssyncpa.u1 $0x0;
	s7 =	simm.s32 $0x2;
	s9 =	simm.s32 @!p0 $0x0  }
0x15: {  	[sflag:s7] =	ssyncpa.u1 $0x0;
	p0 =	por $0x0, $0x0;
	s8 =	sadd.s32 s8, s9  }
0x16: {  	vm0 =	vmmov $0xff;
	vm1 =	vcmask $0x3F20;
	s9 =	sadd.s32 $0x125000, s4;
	[sflag:s10] =	ssyncpa.u1 $0x0;
	s10 =	sadd.s32 $0x1, s8  }
.LBB2_6:
0x17: {  	[hbm:s17] =	stream.linear.scatter [tilespmem:s14], [sflag:$0x3], $0x400, $0x38;
	[tilespmem:$0x50A0] =	vst v63  }
.LBB2_7:
0x18: {  	s13 =	sadd.s32 $0x50, s11  }
0x19: {  	s15 =	smov.u32 s1;
	p2 =	slt.s32 s13, s3  }
0x1a: {  	s15 =	smov.u32 @p2 s13;
	p2 =	sne.s32 s12, s10  }
.Ltmp1:
0x1b: {  	p1 =	slt.u32 s12, $0x2;
	(pc) =	sbr.rel @!p2 .LBB2_8-.Ltmp1, $4  }
0x1c: {  	s14 =	simm.s32 @!p1 $0x3  }
0x1d: {  	s16 =	sadd.s32 $0x1, s12;
	_ =	swait.ge @!p1 [sflag:s14], $0x2800  }
0x1e: {  	p0 =	por !p0, !p0;
	s13 =	smov.u32 s11;
	[sflag:s14] =	ssyncset.done @!p1 $0x0  }
0x1f: {  	s12 =	smov.u32 s16;
	s11 =	smov.u32 s15;
	[sflag:s14] =	ssyncadd.s32 @!p1 $0xFFFFD800  }
.LBB2_1:
0x20: {  	p1 =	sge.u32 s12, s8  }
0x21: {  	s14 =	sxor.u32 @!p1 $0xFFFFFFFF, s12  }
0x22: {  	s14 =	sand.u32 @!p1 $0x1, s14  }
0x23: {  	s14 =	smul.u32 @!p1 $0x140, s14  }
0x24: {  	s31 =	sadd.s32 $0xFFFFFFFF, s12;
	s15 =	sshrl.u32 @!p1 s11, $0x3  }
0x25: {  	s16 =	sand.u32 @!p1 $0x7, s11;
	s15 =	sadd.s32 @!p1 s5, s15;
	s14 =	sshrl.u32 @!p1 s14, $0x2  }
0x26: {  	[tilespmem:s14], [sflag:$0x2] =	stream.linear.gather @!p1 [hbm4b:s15+s16], $0x50, $0x38;
	[tilespmem:$0x50A0] =	vst v63  }
0x27: {  	p1 =	sge.u32 s31, s8  }
.Ltmp2:
0x28: {  	_ = 	snop;
	(pc) =	sbr.rel @p1 .LBB2_7-.Ltmp2, $1  }
0x29: {  	_ =	sdelay $0x3  }
0x2a: {  	s14 =	simm.s32 $0x1  }
0x2b: {  	s14 =	simm.s32 @!p0 $0x0  }
0x2c: {  	s15 =	smul.u32 $0x140, s14  }
0x2d: {  	_ =	swait.ge [sflag:s7], $0x50  }
0x2e: {  	[sflag:s7] =	ssyncset.done $0x0;
	s16 =	sshrl.u32 s15, $0x2  }
0x2f: {  	[sflag:s7] =	ssyncadd.s32 $0xFFFFFFB0;
	s15 =	sadd.s32 $0x0, s16  }
0x30: {  	v0 =	vld.msk [tilespmem:s15+$0x0 ss:$0x1], $0xffff;
	_ =	sdelay $0x4  }
0x31: {  	vm2 =	veq.s32 v0, $0x80000000;
	v1 =	vand.u32 $0x1, v0;
	v0 =	vshll.u32 v0, $0x7  }
0x32: {  	v1 =	vsel vm2, $0xFFFFFFFF, v1;
	v0 =	vand.u32 $0xFFFF00, v0  }
0x33: {  	v0 =	vsel vm2, $0xFFFFFF00, v0;
	v2 =	vand.u32 $0xFFFFFF00, v1;
	v1 =	vshll.u32 v1, $0x7  }
0x34: {  	v0 =	vadd.s32 v2, v0;
	v1 =	vand.u32 $0x80, v1  }
0x35: {  	v0 =	vor.u32 v1, v0  }
0x36: {  	v0 =	vshrl.u32 v0, $0x3  }
0x37: {  	s14 =	smul.u32 $0xA000, s14;
	_ =	sdelay $0x1  }
0x38: {  	s14 =	sshrl.u32 s14, $0x2  }
0x39: {  	s14 =	sor.u32 $0xA0, s14  }
0x3a: {  	[tilespmem:s14], [sflag:$0x1] =	stream.indirect_vreg.gather [hbm:s4], $0x80, v0, vm0, $0x38;
	[tilespmem:$0x50A0] =	vst v63  }
0x3b: {  	s17 =	sadd.s32 $0x10, s16;
	s15 =	sadd.s32 $0x400, s14  }
0x3c: {  	[tilespmem:s15], [sflag:$0x1] =	stream.indirect_vreg.gather [hbm:s4], $0x80, v0, vm1, $0x38;
	[tilespmem:$0x50A0] =	vst v63  }
0x3d: {  	s18 =	simm.s32 $0x80;
	v0 =	vld.msk [tilespmem:s17+$0x0 ss:$0x1], $0xffff;
	s17 =	smov.u32 s14  }
.LBB2_3:
0x3e: {  	p1 =	sne.s32 s18, $0x100;
	_ =	sdelay $0x4  }
0x3f: {  	vm2 =	veq.s32 v0, $0x80000000;
	v1 =	vand.u32 $0x1, v0;
	v0 =	vshll.u32 v0, $0x7  }
0x40: {  	v1 =	vsel vm2, $0xFFFFFFFF, v1;
	v0 =	vand.u32 $0xFFFF00, v0  }
0x41: {  	v0 =	vsel vm2, $0xFFFFFF00, v0;
	v2 =	vand.u32 $0xFFFFFF00, v1;
	v1 =	vshll.u32 v1, $0x7  }
0x42: {  	v0 =	vadd.s32 v2, v0;
	v1 =	vand.u32 $0x80, v1  }
0x43: {  	v0 =	vor.u32 v1, v0  }
0x44: {  	v0 =	vshrl.u32 v0, $0x3;
	_ =	sdelay $0x3  }
.Ltmp3:
0x45: {  	s19 =	sshra.s32 s18, $0x2;
	s17 =	sadd.s32 $0x800, s17;
	(pc) =	sbr.rel @p1 .LBB2_3-.Ltmp3, $4  }
0x46: {  	[tilespmem:s17], [sflag:$0x1] =	stream.indirect_vreg.gather [hbm:s4], $0x80, v0, vm0, $0x38;
	[tilespmem:$0x50A0] =	vst v63  }
0x47: {  	s19 =	sadd.s32 s19, s16;
	s20 =	sadd.s32 $0x400, s17  }
0x48: {  	[tilespmem:s20], [sflag:$0x1] =	stream.indirect_vreg.gather [hbm:s4], $0x80, v0, vm1, $0x38;
	[tilespmem:$0x50A0] =	vst v63  }
0x49: {  	s18 =	sadd.s32 $0x40, s18;
	v0 =	vld.msk [tilespmem:s19+$0x0 ss:$0x1], $0xffff  }
0x4a: {  	_ =	sdelay $0x3  }
0x4b: {  	vm2 =	veq.s32 v0, $0x80000000;
	v1 =	vand.u32 $0x1, v0;
	v63 =	vshll.u32 v0, $0x7  }
0x4c: {  	v1 =	vsel vm2, $0xFFFFFFFF, v1;
	v0 =	vand.u32 $0xFFFF00, v63  }
0x4d: {  	v0 =	vsel vm2, $0xFFFFFF00, v0;
	v2 =	vand.u32 $0xFFFFFF00, v1;
	v1 =	vshll.u32 v1, $0x7  }
0x4e: {  	v0 =	vadd.s32 v2, v0;
	v1 =	vand.u32 $0x80, v1  }
0x4f: {  	v0 =	vor.u32 v1, v0  }
0x50: {  	v0 =	vshrl.u32 v0, $0x3;
	_ =	sdelay $0x3  }
0x51: {  	s16 =	sadd.s32 $0x800, s17  }
0x52: {  	[tilespmem:s16], [sflag:$0x1] =	stream.indirect_vreg.gather [hbm:s4], $0x80, v0, vm0, $0x38;
	[tilespmem:$0x50A0] =	vst v63  }
0x53: {  	s16 =	sadd.s32 $0x400, s16  }
0x54: {  	[tilespmem:s16], [sflag:$0x1] =	stream.indirect_vreg.gather [hbm:s4], $0x80, v0, vm1, $0x38;
	[tilespmem:$0x50A0] =	vst v63  }
0x55: {  	s13 =	sshll.u32 s13, $0x4;
	_ =	swait.ge [sflag:s6], $0x2800  }
0x56: {  	s13 =	sadd.s32 s13, s9;
	[sflag:s6] =	ssyncset.done $0x0  }
0x57: {  	s17 =	sadd.s32 $0x0, s13;
	s16 =	simm.s32 $0x80;
	[sflag:s6] =	ssyncadd.s32 $0xFFFFD800  }
.LBB2_5:
0x58: {  	[hbm:s17] =	stream.linear.scatter [tilespmem:s14], [sflag:$0x3], $0x400, $0x38;
	[tilespmem:$0x50A0] =	vst v63  }
0x59: {  	s17 =	smov.u32 s16;
	s14 =	smov.u32 s15;
	p1 =	sne.s32 s16, $0x480  }
.Ltmp4:
0x5a: {  	s16 =	sadd.s32 $0x80, s16;
	(pc) =	sbr.rel @p1 .LBB2_5-.Ltmp4, $2  }
0x5b: {  	_ =	sdelay $0x2  }
0x5c: {  	s15 =	sadd.s32 $0x400, s15;
	s17 =	sadd.s32 s17, s13  }
.Ltmp5:
0x5d: {  	_ = 	snop;
	(pc) =	sbr.rel .LBB2_6-.Ltmp5, $1  }
0x5e: {  	_ =	sdelay $0x3  }
.LBB2_8:
0x5f: {  	_ =	sfence.sel $0x180000  }
0x60: {  	s1 =	simm.s32 $0x2;
	[bflag:$0x0] =	sbarrier.arrive $0xFFFF  }
0x61: {  	s30 =	simm.s32 $0x3;
	[sflag:s1] =	ssyncpa.u1 $0x1  }
0x62: {  	s31 =	simm.s32 $0x1;
	[sflag:s30] =	ssyncpa.u1 $0x1  }
0x63: {  	[sflag:s31] =	ssyncpa.u1 $0x1  }
0x64: {  	p0 =	sne.s32 s0, $0x0;
	_ =	strace $0x90000047  }
0x65: {  	s0 =	sadd.s32 @!p0 $0x100000, s2;
	[bflag:$0x2] =	sbarrier.arrive $0xFFFF  }
0x66: {  	[sflag:s0] =	ssyncadd.tile.s32 @!p0 $0x1;
	_ =	shalt  }
.Lfunc_end2:
_tile_overlayer_lowered:
.L_overlay_start_2:
0x67: {  	(tag) =	ssettag $0x2  }
0x68: {  	s0 =	rddreg [dreg:$0x0];
	s2 =	stileid.u32  }
0x69: {  	s1 =	rddreg [dreg:$0x1];
	p0 =	sne.s32 s2, $0x0  }
0x6a: {  	s3 =	rddreg [dreg:$0x2];
	[bflag:$0x3] =	sbarrier.arrive $0xFFFF;
	s2 =	simm.s32 @!p0 $0x1C01  }
0x6b: {  	[timem:s3], [sflag:s2] =	dma.local @!p0 [hbm:s0], s1  }
0x6c: {  	s0 =	simm.s32 @!p0 $0x1  }
0x6d: {  	_ =	swait.ge @!p0 [sflag:s0], s1  }
0x6e: {  	s1 =	ssub.s32 @!p0 $0x0, s1;
	[sflag:s0] =	ssyncset.done @!p0 $0x0  }
0x6f: {  	[sflag:s0] =	ssyncadd.s32 @!p0 s1  }
0x70: {  	[bflag:$0x3] =	sbarrier.arrive $0xFFFF  }
0x71: {  	_ =	shalt  }

// kernel: gather_offload_async_start
scs
__scs_entry_jumppad:
0x0: {  	(pc) =	sbr.rel $0x88, $3  }
0x1: {  	(tag) =	ssettag $0x0;
	lr =	simm.s32 $0x1  }
0x2: {  	[smem:$0x3F9E] =	sst lr;
	_ =	strace $0xD0000000  }
0x3: {  	_ = 	snop  }
0x4: {  	_ = 	snop  }
0x5: {  	_ = 	snop  }
0x6: {  	_ = 	snop  }
0x7: {  	_ = 	snop  }
__scs_overlays_trampoline_lowered:
0x8: {  	[smem:$0x3FAD] =	sst s0  }
0x9: {  	[smem:$0x3FAE] =	sst s1  }
0xa: {  	[smem:$0x3FAF] =	sst s2  }
0xb: {  	[smem:$0x3FB0] =	sst s3  }
0xc: {  	[smem:$0x3FB1] =	sst s4  }
0xd: {  	[smem:$0x3FB2] =	sst s5  }
0xe: {  	[smem:$0x3FB3] =	sst s6  }
0xf: {  	[smem:$0x3FB4] =	sst s7  }
0x10: {  	[smem:$0x3FB5] =	sst s8  }
0x11: {  	[smem:$0x3FB6] =	sst s9;
	s0 =	simm.s32 @!p0 $0x0  }
0x12: {  	s1 =	sld [smem:$0x3F9C];
	s0 =	simm.s32 @p0 $0x1  }
0x13: {  	[smem:$0x3FB7] =	sst s0;
	s0 =	simm.s32 @!p1 $0x0  }
0x14: {  	s2 =	sld [smem:$0x3F9B];
	s0 =	simm.s32 @p1 $0x1  }
0x15: {  	[smem:$0x3FB8] =	sst s0;
	s0 =	simm.s32 @!p2 $0x0  }
0x16: {  	s3 =	sld [smem:$0x3FDB];
	s0 =	simm.s32 @p2 $0x1  }
0x17: {  	s4 =	simm.s32 $0x1BF5;
	[smem:$0x3FBA] =	sst s0  }
0x18: {  	s0 =	sld [smem:$0x3F9D];
	_ =	swait.ge [sflag:s4], $0x0  }
0x19: {  	s7 =	sld [smem:$0x3F9E]  }
0x1a: {  	s8 =	sadd.s32 $0xFFFFE003, lr  }
0x1b: {  	s9 =	sadd.s32 $0xFFFFFEF7, lr;
	s5 =	simm.s32 $0xFFFFFFFF;
	p2 =	slt.u32 s8, $0xFFFFF086  }
0x1c: {  	p1 =	slt.u32 s9, $0xF7A;
	s5 =	simm.s32 @!p2 $0x0  }
0x1d: {  	s5 =	simm.s32 @p1 $0x1;
	p0 =	seq.s32 s7, s2  }
0x1e: {  	s7 =	smul.u32 @!p0 $0xF7A, s2;
	p2 =	seq.s32 @!p0 s5, $0x0  }
0x1f: {  	s9 =	smul.u32 $0xF7A, s1;
	s8 =	simm.s32 @!p0 $0x1BF5;
	p2 =	por !p2, p0  }
0x20: {  	[sflag:s8] =	ssyncset.s32 @!p0 $0xFFFFF086;
	s6 =	sadd.s32 @!p0 s3, s7;
	s7 =	simm.s32 @!p0 $0x108  }
0x21: {  	s3 =	sadd.s32 s3, s9;
	s6 =	sadd.s32 @!p0 $0x88, s6;
	s7 =	simm.s32 @p2 $0x1082  }
0x22: {  	[simem:s7], [sflag:s8] =	dma.local @!p0 [hbm:s6], $0xF7A  }
0x23: {  	s9 =	sor.u32 $0xD0000000, s2;
	s6 =	simm.s32 $0x108;
	_ =	swait.ge @!p0 [sflag:s8], $0x0  }
0x24: {  	s3 =	sadd.s32 $0x88, s3;
	s6 =	simm.s32 @!p1 $0x1082;
	[sflag:s4] =	ssyncset.s32 $0xFFFFF086  }
0x25: {  	[simem:s6], [sflag:s4] =	dma.local [hbm:s3], $0xF7A  }
0x26: {  	[smem:$0x3F9E] =	sst s1;
	(tag) =	ssettag s2;
	_ =	strace s9  }
0x27: {  	s1 =	sld [smem:$0x3FAE]  }
0x28: {  	s2 =	sld [smem:$0x3FAF]  }
0x29: {  	s4 =	sld [smem:$0x3FB1]  }
0x2a: {  	p0 =	seq.s32 s5, $0x0;
	s5 =	sld [smem:$0x3FB2]  }
0x2b: {  	s6 =	sld [smem:$0x3FB3]  }
0x2c: {  	s7 =	sld [smem:$0x3FB4]  }
0x2d: {  	s3 =	simm.s32 $0x108;
	s8 =	sld [smem:$0x3FB5]  }
0x2e: {  	s3 =	simm.s32 @!p0 $0x1082;
	s9 =	sld [smem:$0x3FB6]  }
0x2f: {  	lr =	sadd.s32 s0, s3;
	s0 =	sld [smem:$0x3FAD]  }
0x30: {  	s3 =	sld [smem:$0x3FB0]  }
0x31: {  	[smem:$0x3FB9] =	sst s10  }
0x32: {  	s10 =	sld [smem:$0x3FB7];
	_ =	sdelay $0x3  }
0x33: {  	p0 =	seq.s32 s10, $0x1;
	s10 =	sld [smem:$0x3FB9];
	_ =	sdelay $0x3  }
0x34: {  	[smem:$0x3FB9] =	sst s10  }
0x35: {  	s10 =	sld [smem:$0x3FB8];
	_ =	sdelay $0x3  }
0x36: {  	p1 =	seq.s32 s10, $0x1;
	s10 =	sld [smem:$0x3FB9];
	_ =	sdelay $0x3  }
0x37: {  	[smem:$0x3FB9] =	sst s10  }
0x38: {  	s10 =	sld [smem:$0x3FBA]  }
0x39: {  	_ = 	snop;
	(pc) =	sbr.ind lr, $3  }
0x3a: {  	_ = 	snop  }
0x3b: {  	_ = 	snop  }
0x3c: {  	p2 =	seq.s32 s10, $0x1;
	s10 =	sld [smem:$0x3FB9]  }
0x3d: {  	_ =	shalt  }
0x3e: {  	_ =	shalt  }
0x3f: {  	_ =	shalt  }
0x40: {  	_ =	shalt  }
0x41: {  	_ =	shalt  }
0x42: {  	_ =	shalt  }
0x43: {  	_ =	shalt  }
0x44: {  	_ =	shalt  }
0x45: {  	_ =	shalt  }
0x46: {  	_ =	shalt  }
0x47: {  	_ =	shalt  }
0x48: {  	_ =	shalt  }
0x49: {  	_ =	shalt  }
0x4a: {  	_ =	shalt  }
0x4b: {  	_ =	shalt  }
0x4c: {  	_ =	shalt  }
0x4d: {  	_ =	shalt  }
0x4e: {  	_ =	shalt  }
0x4f: {  	_ =	shalt  }
0x50: {  	_ =	shalt  }
0x51: {  	_ =	shalt  }
0x52: {  	_ =	shalt  }
0x53: {  	_ =	shalt  }
0x54: {  	_ =	shalt  }
0x55: {  	_ =	shalt  }
0x56: {  	_ =	shalt  }
0x57: {  	_ =	shalt  }
0x58: {  	_ =	shalt  }
0x59: {  	_ =	shalt  }
0x5a: {  	_ =	shalt  }
0x5b: {  	_ =	shalt  }
0x5c: {  	_ =	shalt  }
0x5d: {  	_ =	shalt  }
0x5e: {  	_ =	shalt  }
0x5f: {  	_ =	shalt  }
0x60: {  	_ =	shalt  }
0x61: {  	_ =	shalt  }
0x62: {  	_ =	shalt  }
0x63: {  	_ =	shalt  }
0x64: {  	_ =	shalt  }
0x65: {  	_ =	shalt  }
0x66: {  	_ =	shalt  }
0x67: {  	_ =	shalt  }
0x68: {  	_ =	shalt  }
0x69: {  	_ =	shalt  }
0x6a: {  	_ =	shalt  }
0x6b: {  	_ =	shalt  }
0x6c: {  	_ =	shalt  }
0x6d: {  	_ =	shalt  }
0x6e: {  	_ =	shalt  }
0x6f: {  	_ =	shalt  }
0x70: {  	_ =	shalt  }
0x71: {  	_ =	shalt  }
0x72: {  	_ =	shalt  }
0x73: {  	_ =	shalt  }
0x74: {  	_ =	shalt  }
0x75: {  	_ =	shalt  }
0x76: {  	_ =	shalt  }
0x77: {  	_ =	shalt  }
0x78: {  	_ =	shalt  }
0x79: {  	_ =	shalt  }
0x7a: {  	_ =	shalt  }
0x7b: {  	_ =	shalt  }
0x7c: {  	_ =	shalt  }
0x7d: {  	_ =	shalt  }
0x7e: {  	_ =	shalt  }
0x7f: {  	_ =	shalt  }
0x80: {  	_ =	shalt  }
0x81: {  	_ =	shalt  }
0x82: {  	_ =	shalt  }
0x83: {  	_ =	shalt  }
0x84: {  	_ =	shalt  }
0x85: {  	_ =	shalt  }
0x86: {  	_ =	shalt  }
0x87: {  	_ =	shalt  }
.Lfunc_end0:
.L_simem_size_0:
called_computation_lowered:
.L_overlay_start_0:
0x88: {  	s2 =	sld [smem:$0x3FD9]  }
0x89: {  	s3 =	sld [smem:$0x3FFE];
	_ =	sdelay $0x1  }
0x8a: {  	s1 =	srdreg.scid  }
0x8b: {  	s0 =	sand.u32 $0x1, s1  }
0x8c: {  	s17 =	sshll.u32 s0, $0xA;
	s2 =	sadd.s32 s3, s2  }
0x8d: {  	s2 =	sadd.s32 s2, s17  }
0x8e: {  	[smem:$0x3FC5] =	sst s2  }
0x8f: {  	_ = 	snop  }
0x90: {  	(tm) =	ssettm $0x1  }
0x91: {  	s18 =	sld [smem:$0x3FFB];
	_ =	sdelay $0x3  }
0x92: {  	_ =	strace s18  }
0x93: {  	s2 =	sld [smem:$0x3FFC];
	_ =	sdelay $0x3  }
0x94: {  	_ =	strace s2  }
0x95: {  	s2 =	sld [smem:$0x3FFD];
	_ =	sdelay $0x3  }
0x96: {  	_ =	strace s2  }
0x97: {  	_ =	strace $0x8FFFFFFF  }
0x98: {  	s19 =	sld [smem:$0x3FDB];
	_ =	sdelay $0x1  }
0x99: {  	s20 =	simm.s32 $_scs_section_size  }
0x9a: {  	s4 =	simm.s32 $_size__tile_overlayer_lowered;
	s5 =	simm.s32 $_tile_overlayer_lowered  }
0x9b: {  	s6 =	simm.s32 $0x1BFF;
	s21 =	sshll.u32 s5, $0x1;
	s3 =	sadd.s32 s20, s19  }
0x9c: {  	s22 =	simm.s32 $0x0;
	s4 =	sshll.u32 s4, $0x1;
	s5 =	sadd.s32 s21, s3  }
0x9d: {  	[timem:s22], [sflag:s6] =	dma.local [hbm:s5], s4  }
0x9e: {  	_ =	swait.ge [sflag:s6], s4  }
0x9f: {  	s4 =	ssub.s32 $0x0, s4;
	[sflag:s6] =	ssyncset.done $0x0  }
0xa0: {  	[sflag:s6] =	ssyncadd.s32 s4;
	_ =	sdelay $0x1  }
0xa1: {  	s23 =	simm.s32 $0x1B8B  }
0xa2: {  	_ =	swait.ge [sflag:s23], $0x1  }
0xa3: {  	[sflag:s23] =	ssyncset.done $0x0  }
0xa4: {  	[sflag:s23] =	ssyncadd.s32 $0xFFFFFFFF  }
0xa5: {  	s4 =	sld [smem:$0x0]  }
0xa6: {  	s5 =	sand.u32 $0xFFFFFFFE, s1  }
0xa7: {  	p0 =	sne.s32 s1, s5  }
0xa8: {  	s5 =	sshll.u32 @p0 s5, $0xE  }
0xa9: {  	s5 =	sadd.s32 @p0 $0x11B8D, s5;
	s6 =	sshll.u32 @p0 s4, $0x11  }
0xaa: {  	s5 =	sor.u32 @p0 s6, s5  }
0xab: {  	[sflag:s5] =	ssyncadd.remote.s32 @p0 $0x1;
	_ =	sdelay $0x1  }
0xac: {  	s5 =	simm.s32 @p0 $0x1B8D  }
0xad: {  	_ =	swait.eq @p0 [sflag:s5], $0x1  }
0xae: {  	[sflag:s5] =	ssyncadd.s32 @p0 $0xFFFFFFFF  }
0xaf: {  	s6 =	sshll.u32 @!p0 s1, $0xE  }
0xb0: {  	s6 =	sor.u32 @!p0 $0x4000, s6;
	s5 =	simm.s32 @!p0 $0x1B8D  }
0xb1: {  	s4 =	sshll.u32 @!p0 s4, $0x11;
	s6 =	sadd.s32 @!p0 $0x11B8D, s6;
	_ =	swait.eq @!p0 [sflag:s5], $0x1  }
0xb2: {  	s4 =	sor.u32 @!p0 s4, s6;
	[sflag:s5] =	ssyncadd.s32 @!p0 $0xFFFFFFFF  }
0xb3: {  	s25 =	simm.s32 $0x1B8E;
	s24 =	sld [smem:$0x3FFE];
	[sflag:s4] =	ssyncadd.remote.s32 @!p0 $0x1  }
0xb4: {  	s26 =	simm.s32 $execute0_lowered;
	[smem:$0x3FD2] =	sst s25  }
0xb5: {  	s5 =	sshll.u32 s26, $0x1;
	_ =	strace $0x80000049;
	[dreg:$0x1] =	wrdreg $0xFFFFFFFF  }
0xb6: {  	s28 =	simm.s32 $_size_execute0_lowered;
	s3 =	sadd.s32 s3, s5;
	[dreg:$0x0] =	wrdreg $0x0  }
0xb7: {  	s5 =	sshll.u32 s28, $0x1;
	[dreg:$0x2] =	wrdreg s3  }
0xb8: {  	[dreg:$0x3] =	wrdreg s5  }
0xb9: {  	[dreg:$0x4] =	wrdreg $0xC0  }
0xba: {  	_ =	task [dreg:s22], $0x5FFFF  }
0xbb: {  	[dreg:$0x1] =	wrdreg $0xFFFFFFFF  }
0xbc: {  	[dreg:$0x0] =	wrdreg $0x60  }
0xbd: {  	[dreg:$0x2] =	wrdreg s24  }
0xbe: {  	[dreg:$0x3] =	wrdreg $0x9  }
0xbf: {  	_ =	task.clear_ibuf [dreg:s22], $0x4FFFF;
	_ =	strace $0x90000049  }
0xc0: {  	s29 =	simm.s32 $0x9;
	_ =	strace $0x8000004B  }
0xc1: {  	_ =	swait.ge [sflag:s29], $0x1  }
0xc2: {  	[sflag:s29] =	ssyncadd.s32 $0xFFFFFFFF  }
0xc3: {  	_ =	strace $0x9000004B  }
0xc4: {  	_ =	sfence  }
0xc5: {  	s30 =	sld [smem:$0x0];
	_ =	sdelay $0x2  }
0xc6: {  	s31 =	sshll.u32 s1, $0xD;
	s1 =	sshrl.u32 s1, $0x2  }
0xc7: {  	s4 =	sand.u32 $0x4000, s31;
	s1 =	sadd.s32 s1, s30  }
0xc8: {  	s0 =	sor.u32 s4, s0;
	s1 =	sshll.u32 s1, $0x11  }
0xc9: {  	s0 =	sor.u32 s1, s0  }
0xca: {  	s0 =	sadd.s32 $0x8F2B, s0  }
0xcb: {  	[sflag:s0] =	ssyncadd.remote.s32 $0x1  }
0xcc: {  	_ =	sfence.sel $0xFFFF  }
0xcd: {  	[dreg:$0x0] =	wrdreg $0xFFFFFFFF;
	(pc) =	sbr.abs _section_cstart, $3  }
0xce: {  	[dreg:$0x1] =	wrdreg $0xFFFFFFFF  }
0xcf: {  	_ =	task.clear_ibuf [dreg:s22], $0x2FFFF;
	_ =	strace $0x9FFFFFFF  }
0xd0: {  	(tm) =	ssettm $0x7FFFFFFF  }
0xd1: {  	_ =	shalt  }
tec
execute0_lowered:
.L_overlay_start_1:
0x0: {  	(tag) =	ssettag $0x1  }
0x1: {  	s0 =	srdreg.scid  }
0x2: {  	s1 =	sshll.u32 s0, $0x4  }
0x3: {  	s0 =	stileid.u32;
	s1 =	sand.u32 $0x10, s1  }
0x4: {  	s1 =	sor.u32 s0, s1  }
0x5: {  	s2 =	smin.u32 s1, $0x12  }
0x6: {  	s2 =	sadd.s32 s1, s2  }
0x7: {  	p0 =	slt.u32 s1, $0x12;
	s1 =	simm.s32 $0xA0;
	s2 =	smul.u32 $0x50, s2  }
0x8: {  	s1 =	simm.s32 @!p0 $0x50  }
0x9: {  	s1 =	sadd.s32 s1, s2  }
0xa: {  	s3 =	smin.u32 s1, $0xFA0  }
0xb: {  	s7 =	ssub.s32 s3, s2  }
0xc: {  	p0 =	sgt.s32 s7, $0x0  }
0xd: {  	s7 =	simm.s32 @!p0 $0x0  }
0xe: {  	s4 =	smul.u32 $0xCCCD, s7  }
0xf: {  	s9 =	rddreg [dreg:$0x0];
	s6 =	simm.s32 $0x1;
	s11 =	simm.s32 $0x3  }
0x10: {  	s13 =	simm.s32 $0x0;
	s12 =	simm.s32 $0x0;
	s8 =	sshrl.u32 s4, $0x16  }
0x11: {  	s1 =	rddreg [dreg:$0x1];
	_ =	strace $0x8000004A;
	s10 =	smul.u32 $0x50, s8  }
.Ltmp0:
0x12: {  	s5 =	sadd.s32 $0x134A00, s9;
	[sflag:s6] =	ssyncpa.u1 $0x0;
	(pc) =	sbr.rel .LBB2_1-.Ltmp0, $4  }
0x13: {  	s4 =	sadd.s32 $0x134C00, s9;
	p0 =	sne.s32 s7, s10;
	s10 =	simm.s32 $0x1  }
0x14: {  	s9 =	sadd.s32 $0x1C7400, s9;
	s7 =	simm.s32 $0x2;
	s10 =	simm.s32 @!p0 $0x0  }
0x15: {  	[sflag:s7] =	ssyncpa.u1 $0x0;
	p0 =	por $0x0, $0x0;
	s8 =	sadd.s32 s8, s10  }
0x16: {  	vm0 =	vmmov $0xff;
	vm1 =	vcmask $0x3F20;
	[sflag:s11] =	ssyncpa.u1 $0x0;
	s11 =	smov.u32 s2;
	s10 =	sadd.s32 $0x1, s8  }
.LBB2_6:
0x17: {  	[hbm:s17] =	stream.linear.scatter [tilespmem:s14], [sflag:$0x3], $0x400, $0x38;
	[tilespmem:$0x50A0] =	vst v63  }
.LBB2_7:
0x18: {  	s13 =	sadd.s32 $0x50, s11  }
0x19: {  	s15 =	smov.u32 s2;
	p2 =	slt.s32 s13, s3  }
0x1a: {  	s15 =	smov.u32 @p2 s13;
	p2 =	sne.s32 s12, s10  }
.Ltmp1:
0x1b: {  	p1 =	slt.u32 s12, $0x2;
	(pc) =	sbr.rel @!p2 .LBB2_8-.Ltmp1, $4  }
0x1c: {  	s14 =	simm.s32 @!p1 $0x3  }
0x1d: {  	s16 =	sadd.s32 $0x1, s12;
	_ =	swait.ge @!p1 [sflag:s14], $0x2800  }
0x1e: {  	p0 =	por !p0, !p0;
	s13 =	smov.u32 s11;
	[sflag:s14] =	ssyncset.done @!p1 $0x0  }
0x1f: {  	s12 =	smov.u32 s16;
	s11 =	smov.u32 s15;
	[sflag:s14] =	ssyncadd.s32 @!p1 $0xFFFFD800  }
.LBB2_1:
0x20: {  	p1 =	sge.u32 s12, s8  }
0x21: {  	s14 =	sxor.u32 @!p1 $0xFFFFFFFF, s12  }
0x22: {  	s14 =	sand.u32 @!p1 $0x1, s14  }
0x23: {  	s14 =	smul.u32 @!p1 $0x140, s14  }
0x24: {  	s31 =	sadd.s32 $0xFFFFFFFF, s12;
	s15 =	sshrl.u32 @!p1 s11, $0x3  }
0x25: {  	s16 =	sand.u32 @!p1 $0x7, s11;
	s15 =	sadd.s32 @!p1 s5, s15;
	s14 =	sshrl.u32 @!p1 s14, $0x2  }
0x26: {  	[tilespmem:s14], [sflag:$0x2] =	stream.linear.gather @!p1 [hbm4b:s15+s16], $0x50, $0x38;
	[tilespmem:$0x50A0] =	vst v63  }
0x27: {  	p1 =	sge.u32 s31, s8  }
.Ltmp2:
0x28: {  	_ = 	snop;
	(pc) =	sbr.rel @p1 .LBB2_7-.Ltmp2, $1  }
0x29: {  	_ =	sdelay $0x3  }
0x2a: {  	s14 =	simm.s32 $0x1  }
0x2b: {  	s14 =	simm.s32 @!p0 $0x0  }
0x2c: {  	s15 =	smul.u32 $0x140, s14  }
0x2d: {  	_ =	swait.ge [sflag:s7], $0x50  }
0x2e: {  	[sflag:s7] =	ssyncset.done $0x0;
	s16 =	sshrl.u32 s15, $0x2  }
0x2f: {  	[sflag:s7] =	ssyncadd.s32 $0xFFFFFFB0;
	s15 =	sadd.s32 $0x0, s16  }
0x30: {  	v0 =	vld.msk [tilespmem:s15+$0x0 ss:$0x1], $0xffff;
	_ =	sdelay $0x4  }
0x31: {  	vm2 =	vgt.s32 v0, $0x0  }
0x32: {  	v0 =	vnsel vm2, $0x0, v0  }
0x33: {  	v0 =	vmin.u32 v0, $0x927B  }
0x34: {  	v0 =	vshll.u32 v0, $0x4  }
0x35: {  	s14 =	smul.u32 $0xA000, s14;
	_ =	sdelay $0x1  }
0x36: {  	s14 =	sshrl.u32 s14, $0x2  }
0x37: {  	s14 =	sor.u32 $0xA0, s14  }
0x38: {  	[tilespmem:s14], [sflag:$0x1] =	stream.indirect_vreg.gather [hbm:s4], $0x80, v0, vm0, $0x38;
	[tilespmem:$0x50A0] =	vst v63  }
0x39: {  	s17 =	sadd.s32 $0x10, s16;
	s15 =	sadd.s32 $0x400, s14  }
0x3a: {  	[tilespmem:s15], [sflag:$0x1] =	stream.indirect_vreg.gather [hbm:s4], $0x80, v0, vm1, $0x38;
	[tilespmem:$0x50A0] =	vst v63  }
0x3b: {  	s18 =	simm.s32 $0x80;
	v0 =	vld.msk [tilespmem:s17+$0x0 ss:$0x1], $0xffff;
	s17 =	smov.u32 s14  }
.LBB2_3:
0x3c: {  	p1 =	sne.s32 s18, $0x100;
	_ =	sdelay $0x4  }
0x3d: {  	vm2 =	vgt.s32 v0, $0x0  }
0x3e: {  	v0 =	vnsel vm2, $0x0, v0  }
0x3f: {  	v0 =	vmin.u32 v0, $0x927B  }
0x40: {  	v0 =	vshll.u32 v0, $0x4;
	_ =	sdelay $0x3  }
.Ltmp3:
0x41: {  	s19 =	sshra.s32 s18, $0x2;
	s17 =	sadd.s32 $0x800, s17;
	(pc) =	sbr.rel @p1 .LBB2_3-.Ltmp3, $4  }
0x42: {  	[tilespmem:s17], [sflag:$0x1] =	stream.indirect_vreg.gather [hbm:s4], $0x80, v0, vm0, $0x38;
	[tilespmem:$0x50A0] =	vst v63  }
0x43: {  	s19 =	sadd.s32 s19, s16;
	s20 =	sadd.s32 $0x400, s17  }
0x44: {  	[tilespmem:s20], [sflag:$0x1] =	stream.indirect_vreg.gather [hbm:s4], $0x80, v0, vm1, $0x38;
	[tilespmem:$0x50A0] =	vst v63  }
0x45: {  	s18 =	sadd.s32 $0x40, s18;
	v0 =	vld.msk [tilespmem:s19+$0x0 ss:$0x1], $0xffff  }
0x46: {  	_ =	sdelay $0x3  }
0x47: {  	vm2 =	vgt.s32 v0, $0x0  }
0x48: {  	v0 =	vnsel vm2, $0x0, v0  }
0x49: {  	v0 =	vmin.u32 v0, $0x927B  }
0x4a: {  	v0 =	vshll.u32 v0, $0x4;
	_ =	sdelay $0x3  }
0x4b: {  	s16 =	sadd.s32 $0x800, s17  }
0x4c: {  	[tilespmem:s16], [sflag:$0x1] =	stream.indirect_vreg.gather [hbm:s4], $0x80, v0, vm0, $0x38;
	[tilespmem:$0x50A0] =	vst v63  }
0x4d: {  	s16 =	sadd.s32 $0x400, s16  }
0x4e: {  	[tilespmem:s16], [sflag:$0x1] =	stream.indirect_vreg.gather [hbm:s4], $0x80, v0, vm1, $0x38;
	[tilespmem:$0x50A0] =	vst v63  }
0x4f: {  	s13 =	sshll.u32 s13, $0x4;
	_ =	swait.ge [sflag:s6], $0x2800  }
0x50: {  	s13 =	sadd.s32 s13, s9;
	[sflag:s6] =	ssyncset.done $0x0  }
0x51: {  	s17 =	sadd.s32 $0x0, s13;
	s16 =	simm.s32 $0x80;
	[sflag:s6] =	ssyncadd.s32 $0xFFFFD800  }
.LBB2_5:
0x52: {  	[hbm:s17] =	stream.linear.scatter [tilespmem:s14], [sflag:$0x3], $0x400, $0x38;
	[tilespmem:$0x50A0] =	vst v63  }
0x53: {  	s17 =	smov.u32 s16;
	s14 =	smov.u32 s15;
	p1 =	sne.s32 s16, $0x480  }
.Ltmp4:
0x54: {  	s16 =	sadd.s32 $0x80, s16;
	(pc) =	sbr.rel @p1 .LBB2_5-.Ltmp4, $2  }
0x55: {  	_ =	sdelay $0x2  }
0x56: {  	s15 =	sadd.s32 $0x400, s15;
	s17 =	sadd.s32 s17, s13  }
.Ltmp5:
0x57: {  	_ = 	snop;
	(pc) =	sbr.rel .LBB2_6-.Ltmp5, $1  }
0x58: {  	_ =	sdelay $0x3  }
.LBB2_8:
0x59: {  	_ =	sfence.sel $0x180000  }
0x5a: {  	s2 =	simm.s32 $0x2;
	[bflag:$0x0] =	sbarrier.arrive $0xFFFF  }
0x5b: {  	s30 =	simm.s32 $0x3;
	[sflag:s2] =	ssyncpa.u1 $0x1  }
0x5c: {  	s31 =	simm.s32 $0x1;
	[sflag:s30] =	ssyncpa.u1 $0x1  }
0x5d: {  	[sflag:s31] =	ssyncpa.u1 $0x1  }
0x5e: {  	p0 =	sne.s32 s0, $0x0;
	_ =	strace $0x9000004A  }
0x5f: {  	s0 =	sadd.s32 @!p0 $0x100000, s1;
	[bflag:$0x2] =	sbarrier.arrive $0xFFFF  }
0x60: {  	[sflag:s0] =	ssyncadd.tile.s32 @!p0 $0x1;
	_ =	shalt  }
.Lfunc_end2:
_tile_overlayer_lowered:
.L_overlay_start_2:
0x61: {  	(tag) =	ssettag $0x2  }
0x62: {  	s0 =	rddreg [dreg:$0x0];
	s2 =	stileid.u32  }
0x63: {  	s1 =	rddreg [dreg:$0x1];
	p0 =	sne.s32 s2, $0x0  }
0x64: {  	s3 =	rddreg [dreg:$0x2];
	[bflag:$0x3] =	sbarrier.arrive $0xFFFF;
	s2 =	simm.s32 @!p0 $0x1C01  }
0x65: {  	[timem:s3], [sflag:s2] =	dma.local @!p0 [hbm:s0], s1  }
0x66: {  	s0 =	simm.s32 @!p0 $0x1  }
0x67: {  	_ =	swait.ge @!p0 [sflag:s0], s1  }
0x68: {  	s1 =	ssub.s32 @!p0 $0x0, s1;
	[sflag:s0] =	ssyncset.done @!p0 $0x0  }
0x69: {  	[sflag:s0] =	ssyncadd.s32 @!p0 s1  }
0x6a: {  	[bflag:$0x3] =	sbarrier.arrive $0xFFFF  }
0x6b: {  	_ =	shalt  }

</sc_bundles>
